<compile_context>
chip_gen: v7x
topology: tpu7x:2x2x1
jax: 0.10.2.dev20260603
libtpu: 0.0.44.dev20260713+nightly
codegen_flags: <defaults>
</compile_context>

<pallas_src>
import jax
import jax.numpy as jnp
from jax import lax
from jax.experimental import pallas as pl
from jax.experimental.pallas import tpu as pltpu
from jax.experimental.pallas import tpu_sc as plsc

D = 64
SCALE = 8.0

NC = 2
NS = 16
NW = NC * NS

B_TOTAL = 16384 * 50
G = 128
C = 256
KG = C // G
ROWS_PER_W = B_TOTAL // NW
NCH = ROWS_PER_W // C
IDX_ROWS = ROWS_PER_W // G


def _body(x_hbm, table_hbm, out_hbm,
          idx_v, g0_v, g1_v, o0_v, o1_v,
          gsem0, gsem1, wsem0, wsem1):
    wid = lax.axis_index("s") * NC + lax.axis_index("c")
    row0 = wid * ROWS_PER_W

    gbuf = (g0_v, g1_v)
    obuf = (o0_v, o1_v)
    gsem = (gsem0, gsem1)
    wsem = (wsem0, wsem1)

    pltpu.sync_copy(x_hbm.at[pl.ds(wid * IDX_ROWS, IDX_ROWS)], idx_v)

    def fire(c, b):
        for k in range(KG):
            pltpu.async_copy(
                table_hbm.at[idx_v.at[c * KG + k]],
                gbuf[b].at[pl.ds(k * G, G)],
                gsem[b],
            )

    def wait_gather(b):
        pltpu.make_async_copy(
            out_hbm.at[pl.ds(0, C)], gbuf[b], gsem[b]
        ).wait()

    def scale(b):
        @plsc.parallel_loop(0, C, step=1, unroll=4)
        def _(r):
            for j in range(D // 16):
                obuf[b][r, pl.ds(j * 16, 16)] = (
                    gbuf[b][r, pl.ds(j * 16, 16)] * SCALE
                )

    def start_wb(c, b):
        pltpu.async_copy(obuf[b], out_hbm.at[pl.ds(row0 + c * C, C)], wsem[b])

    def wait_wb(b):
        pltpu.make_async_copy(obuf[b], out_hbm.at[pl.ds(0, C)], wsem[b]).wait()

    fire(0, 0)
    fire(1, 1)
    for b in range(2):
        wait_gather(b)
        scale(b)
        fire(2 + b, b)
        start_wb(b, b)

    def step(o, _):
        for b in range(2):
            c = 2 * o + b
            wait_gather(b)
            wait_wb(b)
            scale(b)
            fire(c + 2, b)
            start_wb(c, b)
        return 0

    lax.fori_loop(1, NCH // 2 - 1, step, 0)

    for b in range(2):
        c = NCH - 2 + b
        wait_gather(b)
        wait_wb(b)
        scale(b)
        start_wb(c, b)
    for b in range(2):
        wait_wb(b)


def kernel(x, E):
    x_flat = x.reshape(B_TOTAL // G, G).astype(jnp.int32)
    mesh = plsc.VectorSubcoreMesh(
        core_axis_name="c", subcore_axis_name="s", num_cores=NC, num_subcores=NS
    )
    out = pl.kernel(
        _body,
        out_type=jax.ShapeDtypeStruct((B_TOTAL, D), jnp.float32),
        mesh=mesh,
        scratch_types=[
            pltpu.VMEM((IDX_ROWS, G), jnp.int32),
            pltpu.VMEM((C, D), jnp.float32),
            pltpu.VMEM((C, D), jnp.float32),
            pltpu.VMEM((C, D), jnp.float32),
            pltpu.VMEM((C, D), jnp.float32),
            pltpu.SemaphoreType.DMA,
            pltpu.SemaphoreType.DMA,
            pltpu.SemaphoreType.DMA,
            pltpu.SemaphoreType.DMA,
        ],
        compiler_params=pltpu.CompilerParams(use_tc_tiling_on_sc=False),
    )(x_flat, E)
    return out.reshape(x.shape[0], x.shape[1], D)

# --- scband reference (transcript-rebuilt; emitter-appended) ---
"""Pipeline reference for scband-embedding-21912923144688 (READ-ONLY COPY).

The authoritative reference and input builder live on the scoring server;
editing this copy changes nothing except your own understanding.
"""

import jax, jax.numpy as jnp
import numpy as np
import math

VOCAB_SIZE = 1000000
D_MODEL = 64

def setup_inputs(seed: int = 0) -> dict:
    key = jax.random.key(seed)
    k1, k2 = jax.random.split(key)
    x = jax.random.randint(k1, (16384, 50), 0, VOCAB_SIZE, dtype=jnp.int64 if jax.config.jax_enable_x64 else jnp.int32)
    E = jax.random.normal(k2, (VOCAB_SIZE, D_MODEL), dtype=jnp.float32) * 0.02
    return {"x": x, "E": E}

def reference(x, E):
    # Faithful translation of: self.E[x] * math.sqrt(self.d_model)
    out = jnp.take(E, x, axis=0) * math.sqrt(D_MODEL)
    return out

if __name__ == "__main__":
    import jax
    _d = setup_inputs()
    print(jax.jit(kernel)(*tuple(_d.values())))

</pallas_src>

<mosaic_0001>
#map = affine_map<(d0, d1) -> (0, 0)>
module attributes {stable_mosaic.version = 14 : i64} {
  func.func @_body(%arg0: i32, %arg1: i32, %arg2: memref<6400x128xi32, #tpu.memory_space<hbm>>, %arg3: memref<1000000x64xf32, #tpu.memory_space<hbm>>, %arg4: memref<819200x64xf32, #tpu.memory_space<hbm>>, %arg5: memref<200x128xi32, #tpu.memory_space<vmem>>, %arg6: memref<256x64xf32, #tpu.memory_space<vmem>>, %arg7: memref<256x64xf32, #tpu.memory_space<vmem>>, %arg8: memref<256x64xf32, #tpu.memory_space<vmem>>, %arg9: memref<256x64xf32, #tpu.memory_space<vmem>>, %arg10: memref<!tpu.dma_semaphore, #tpu.memory_space<semaphore_mem>>, %arg11: memref<!tpu.dma_semaphore, #tpu.memory_space<semaphore_mem>>, %arg12: memref<!tpu.dma_semaphore, #tpu.memory_space<semaphore_mem>>, %arg13: memref<!tpu.dma_semaphore, #tpu.memory_space<semaphore_mem>>) attributes {dimension_semantics = [#tpu.dimension_semantics<core_parallel>, #tpu.dimension_semantics<subcore_parallel>], iteration_bounds = array<i64: 2, 16>, scalar_prefetch = 0 : i64, scratch_operands = 9 : i64, tpu.core_type = #tpu.core_type<sc_vector_subcore>, window_params = [{transform_indices = #map}, {transform_indices = #map}, {transform_indices = #map}]} {
    %mul3A = arith.constant 2 : i32
    %mul3A_0 = arith.muli %arg1, %mul3A : i32
    %add3A = arith.addi %mul3A_0, %arg0 : i32
    %mul3A_1 = arith.constant 25600 : i32
    %mul3A_2 = arith.muli %add3A, %mul3A_1 : i32
    %mul3A_3 = arith.constant 200 : i32
    %mul3A_4 = arith.muli %add3A, %mul3A_3 : i32
    "tpu.region"() ({
      %run_scoped3A = tpu.sem_alloc : memref<!tpu.dma_semaphore, #tpu.memory_space<semaphore_mem>>
      %dma_start3A_172 = arith.constant 0 : i32
      %dma_start3A_173 = tpu.memref_slice %arg2[%mul3A_4, %dma_start3A_172] : memref<6400x128xi32, #tpu.memory_space<hbm>> -> memref<200x128xi32, #tpu.memory_space<hbm>>
      %dma_start3A_174 = arith.constant 0 : i32
      %dma_start3A_175 = tpu.memref_slice %arg2[%mul3A_4, %dma_start3A_174] : memref<6400x128xi32, #tpu.memory_space<hbm>> -> memref<200x128xi32, #tpu.memory_space<hbm>>
      tpu.enqueue_dma source(%dma_start3A_175 : memref<200x128xi32, #tpu.memory_space<hbm>>) target(%arg5 : memref<200x128xi32, #tpu.memory_space<vmem>>) target_semaphore(%run_scoped3A : memref<!tpu.dma_semaphore, #tpu.memory_space<semaphore_mem>>)
      %dma_wait3A_176 = arith.constant 0 : i32
      %dma_wait3A_177 = tpu.memref_slice %arg2[%mul3A_4, %dma_wait3A_176] : memref<6400x128xi32, #tpu.memory_space<hbm>> -> memref<200x128xi32, #tpu.memory_space<hbm>>
      %dma_wait3A_178 = arith.constant 0 : i32
      %dma_wait3A_179 = tpu.memref_slice %arg2[%mul3A_4, %dma_wait3A_178] : memref<6400x128xi32, #tpu.memory_space<hbm>> -> memref<200x128xi32, #tpu.memory_space<hbm>>
      tpu.wait_dma2 semaphore(%run_scoped3A : memref<!tpu.dma_semaphore, #tpu.memory_space<semaphore_mem>>) src(%dma_wait3A_179 : memref<200x128xi32, #tpu.memory_space<hbm>>) dst(%arg5 : memref<200x128xi32, #tpu.memory_space<vmem>>)
      tpu.yield
    }) : () -> ()
    %dma_start3A = arith.constant 0 : i32
    %dma_start3A_5 = arith.constant 0 : i32
    %dma_start3A_6 = arith.constant 0 : i32
    %dma_start3A_7 = tpu.memref_slice %arg6[%dma_start3A_5, %dma_start3A_6] : memref<256x64xf32, #tpu.memory_space<vmem>> -> memref<128x64xf32, #tpu.memory_space<vmem>>
    %dma_start3A_8 = arith.constant 0 : i32
    %dma_start3A_9 = tpu.memref_slice %arg5[%dma_start3A, %dma_start3A_8] : memref<200x128xi32, #tpu.memory_space<vmem>> -> memref<1x128xi32, #tpu.memory_space<vmem>>
    %dma_start3A_10 = tpu.memref_squeeze %dma_start3A_9 : memref<1x128xi32, #tpu.memory_space<vmem>> -> memref<128xi32, #tpu.memory_space<vmem>>
    %dma_start3A_11 = arith.constant 0 : i32
    %dma_start3A_12 = arith.constant 0 : i32
    %dma_start3A_13 = tpu.memref_slice %arg3[%dma_start3A_11, %dma_start3A_12] : memref<1000000x64xf32, #tpu.memory_space<hbm>> -> memref<1000000x64xf32, #tpu.memory_space<hbm>>
    tpu.enqueue_indirect_dma source(%dma_start3A_13 : memref<1000000x64xf32, #tpu.memory_space<hbm>>) target(%dma_start3A_7 : memref<128x64xf32, #tpu.memory_space<vmem>>) offsets(%dma_start3A_10 : memref<128xi32, #tpu.memory_space<vmem>>) semaphore(%arg10 : memref<!tpu.dma_semaphore, #tpu.memory_space<semaphore_mem>>)
    %dma_start3A_14 = arith.constant 1 : i32
    %dma_start3A_15 = arith.constant 128 : i32
    %dma_start3A_16 = arith.constant 0 : i32
    %dma_start3A_17 = tpu.memref_slice %arg6[%dma_start3A_15, %dma_start3A_16] : memref<256x64xf32, #tpu.memory_space<vmem>> -> memref<128x64xf32, #tpu.memory_space<vmem>>
    %dma_start3A_18 = arith.constant 0 : i32
    %dma_start3A_19 = tpu.memref_slice %arg5[%dma_start3A_14, %dma_start3A_18] : memref<200x128xi32, #tpu.memory_space<vmem>> -> memref<1x128xi32, #tpu.memory_space<vmem>>
    %dma_start3A_20 = tpu.memref_squeeze %dma_start3A_19 : memref<1x128xi32, #tpu.memory_space<vmem>> -> memref<128xi32, #tpu.memory_space<vmem>>
    %dma_start3A_21 = arith.constant 0 : i32
    %dma_start3A_22 = arith.constant 0 : i32
    %dma_start3A_23 = tpu.memref_slice %arg3[%dma_start3A_21, %dma_start3A_22] : memref<1000000x64xf32, #tpu.memory_space<hbm>> -> memref<1000000x64xf32, #tpu.memory_space<hbm>>
    tpu.enqueue_indirect_dma source(%dma_start3A_23 : memref<1000000x64xf32, #tpu.memory_space<hbm>>) target(%dma_start3A_17 : memref<128x64xf32, #tpu.memory_space<vmem>>) offsets(%dma_start3A_20 : memref<128xi32, #tpu.memory_space<vmem>>) semaphore(%arg10 : memref<!tpu.dma_semaphore, #tpu.memory_space<semaphore_mem>>)
    %dma_start3A_24 = arith.constant 2 : i32
    %dma_start3A_25 = arith.constant 0 : i32
    %dma_start3A_26 = arith.constant 0 : i32
    %dma_start3A_27 = tpu.memref_slice %arg7[%dma_start3A_25, %dma_start3A_26] : memref<256x64xf32, #tpu.memory_space<vmem>> -> memref<128x64xf32, #tpu.memory_space<vmem>>
    %dma_start3A_28 = arith.constant 0 : i32
    %dma_start3A_29 = tpu.memref_slice %arg5[%dma_start3A_24, %dma_start3A_28] : memref<200x128xi32, #tpu.memory_space<vmem>> -> memref<1x128xi32, #tpu.memory_space<vmem>>
    %dma_start3A_30 = tpu.memref_squeeze %dma_start3A_29 : memref<1x128xi32, #tpu.memory_space<vmem>> -> memref<128xi32, #tpu.memory_space<vmem>>
    %dma_start3A_31 = arith.constant 0 : i32
    %dma_start3A_32 = arith.constant 0 : i32
    %dma_start3A_33 = tpu.memref_slice %arg3[%dma_start3A_31, %dma_start3A_32] : memref<1000000x64xf32, #tpu.memory_space<hbm>> -> memref<1000000x64xf32, #tpu.memory_space<hbm>>
    tpu.enqueue_indirect_dma source(%dma_start3A_33 : memref<1000000x64xf32, #tpu.memory_space<hbm>>) target(%dma_start3A_27 : memref<128x64xf32, #tpu.memory_space<vmem>>) offsets(%dma_start3A_30 : memref<128xi32, #tpu.memory_space<vmem>>) semaphore(%arg11 : memref<!tpu.dma_semaphore, #tpu.memory_space<semaphore_mem>>)
    %dma_start3A_34 = arith.constant 3 : i32
    %dma_start3A_35 = arith.constant 128 : i32
    %dma_start3A_36 = arith.constant 0 : i32
    %dma_start3A_37 = tpu.memref_slice %arg7[%dma_start3A_35, %dma_start3A_36] : memref<256x64xf32, #tpu.memory_space<vmem>> -> memref<128x64xf32, #tpu.memory_space<vmem>>
    %dma_start3A_38 = arith.constant 0 : i32
    %dma_start3A_39 = tpu.memref_slice %arg5[%dma_start3A_34, %dma_start3A_38] : memref<200x128xi32, #tpu.memory_space<vmem>> -> memref<1x128xi32, #tpu.memory_space<vmem>>
    %dma_start3A_40 = tpu.memref_squeeze %dma_start3A_39 : memref<1x128xi32, #tpu.memory_space<vmem>> -> memref<128xi32, #tpu.memory_space<vmem>>
    %dma_start3A_41 = arith.constant 0 : i32
    %dma_start3A_42 = arith.constant 0 : i32
    %dma_start3A_43 = tpu.memref_slice %arg3[%dma_start3A_41, %dma_start3A_42] : memref<1000000x64xf32, #tpu.memory_space<hbm>> -> memref<1000000x64xf32, #tpu.memory_space<hbm>>
    tpu.enqueue_indirect_dma source(%dma_start3A_43 : memref<1000000x64xf32, #tpu.memory_space<hbm>>) target(%dma_start3A_37 : memref<128x64xf32, #tpu.memory_space<vmem>>) offsets(%dma_start3A_40 : memref<128xi32, #tpu.memory_space<vmem>>) semaphore(%arg11 : memref<!tpu.dma_semaphore, #tpu.memory_space<semaphore_mem>>)
    %dma_wait3A = arith.constant 0 : i32
    %dma_wait3A_44 = arith.constant 0 : i32
    %dma_wait3A_45 = tpu.memref_slice %arg4[%dma_wait3A, %dma_wait3A_44] : memref<819200x64xf32, #tpu.memory_space<hbm>> -> memref<256x64xf32, #tpu.memory_space<hbm>>
    %dma_wait3A_46 = arith.constant 0 : i32
    %dma_wait3A_47 = arith.constant 0 : i32
    %dma_wait3A_48 = tpu.memref_slice %arg4[%dma_wait3A_46, %dma_wait3A_47] : memref<819200x64xf32, #tpu.memory_space<hbm>> -> memref<256x64xf32, #tpu.memory_space<hbm>>
    tpu.wait_dma2 semaphore(%arg10 : memref<!tpu.dma_semaphore, #tpu.memory_space<semaphore_mem>>) src(%dma_wait3A_48 : memref<256x64xf32, #tpu.memory_space<hbm>>) dst(%arg6 : memref<256x64xf32, #tpu.memory_space<vmem>>)
    %parallel_loop3A = arith.constant 0 : i32
    %parallel_loop3A_49 = arith.constant 256 : i32
    %parallel_loop3A_50 = arith.constant 1 : i32
    scf.for %parallel_loop3A_172 = %parallel_loop3A to %parallel_loop3A_49 step %parallel_loop3A_50  : i32 {
      %parallel_loop3A_173 = arith.index_cast %parallel_loop3A_172 : i32 to index
      %parallel_loop3A_174 = arith.constant 0 : index
      %parallel_loop3A_175 = tpu.vector_load %arg6[%parallel_loop3A_173, %parallel_loop3A_174] {strides = array<i32>} : memref<256x64xf32, #tpu.memory_space<vmem>>, vector<1x16xf32>,
      %parallel_loop3A_176 = vector.shape_cast %parallel_loop3A_175 : vector<1x16xf32> to vector<16xf32>
      %parallel_loop3A_177 = arith.constant 8.000000e+00 : f32
      %parallel_loop3A_178 = vector.broadcast %parallel_loop3A_177 : f32 to vector<16xf32>
      %parallel_loop3A_179 = arith.mulf %parallel_loop3A_176, %parallel_loop3A_178 : vector<16xf32>
      %parallel_loop3A_180 = arith.index_cast %parallel_loop3A_172 : i32 to index
      %parallel_loop3A_181 = arith.constant 0 : index
      %parallel_loop3A_182 = tpu.vector_load %arg8[%parallel_loop3A_180, %parallel_loop3A_181] {strides = array<i32>} : memref<256x64xf32, #tpu.memory_space<vmem>>, vector<1x16xf32>,
      %parallel_loop3A_183 = vector.shape_cast %parallel_loop3A_182 : vector<1x16xf32> to vector<16xf32>
      %parallel_loop3A_184 = vector.shape_cast %parallel_loop3A_179 : vector<16xf32> to vector<1x16xf32>
      tpu.vector_store %arg8[%parallel_loop3A_180, %parallel_loop3A_181], %parallel_loop3A_184 {strides = array<i32>} : memref<256x64xf32, #tpu.memory_space<vmem>>, vector<1x16xf32>,
      %parallel_loop3A_185 = arith.index_cast %parallel_loop3A_172 : i32 to index
      %parallel_loop3A_186 = arith.constant 16 : index
      %parallel_loop3A_187 = tpu.vector_load %arg6[%parallel_loop3A_185, %parallel_loop3A_186] {strides = array<i32>} : memref<256x64xf32, #tpu.memory_space<vmem>>, vector<1x16xf32>,
      %parallel_loop3A_188 = vector.shape_cast %parallel_loop3A_187 : vector<1x16xf32> to vector<16xf32>
      %parallel_loop3A_189 = arith.constant 8.000000e+00 : f32
      %parallel_loop3A_190 = vector.broadcast %parallel_loop3A_189 : f32 to vector<16xf32>
      %parallel_loop3A_191 = arith.mulf %parallel_loop3A_188, %parallel_loop3A_190 : vector<16xf32>
      %parallel_loop3A_192 = arith.index_cast %parallel_loop3A_172 : i32 to index
      %parallel_loop3A_193 = arith.constant 16 : index
      %parallel_loop3A_194 = tpu.vector_load %arg8[%parallel_loop3A_192, %parallel_loop3A_193] {strides = array<i32>} : memref<256x64xf32, #tpu.memory_space<vmem>>, vector<1x16xf32>,
      %parallel_loop3A_195 = vector.shape_cast %parallel_loop3A_194 : vector<1x16xf32> to vector<16xf32>
      %parallel_loop3A_196 = vector.shape_cast %parallel_loop3A_191 : vector<16xf32> to vector<1x16xf32>
      tpu.vector_store %arg8[%parallel_loop3A_192, %parallel_loop3A_193], %parallel_loop3A_196 {strides = array<i32>} : memref<256x64xf32, #tpu.memory_space<vmem>>, vector<1x16xf32>,
      %parallel_loop3A_197 = arith.index_cast %parallel_loop3A_172 : i32 to index
      %parallel_loop3A_198 = arith.constant 32 : index
      %parallel_loop3A_199 = tpu.vector_load %arg6[%parallel_loop3A_197, %parallel_loop3A_198] {strides = array<i32>} : memref<256x64xf32, #tpu.memory_space<vmem>>, vector<1x16xf32>,
      %parallel_loop3A_200 = vector.shape_cast %parallel_loop3A_199 : vector<1x16xf32> to vector<16xf32>
      %parallel_loop3A_201 = arith.constant 8.000000e+00 : f32
      %parallel_loop3A_202 = vector.broadcast %parallel_loop3A_201 : f32 to vector<16xf32>
      %parallel_loop3A_203 = arith.mulf %parallel_loop3A_200, %parallel_loop3A_202 : vector<16xf32>
      %parallel_loop3A_204 = arith.index_cast %parallel_loop3A_172 : i32 to index
      %parallel_loop3A_205 = arith.constant 32 : index
      %parallel_loop3A_206 = tpu.vector_load %arg8[%parallel_loop3A_204, %parallel_loop3A_205] {strides = array<i32>} : memref<256x64xf32, #tpu.memory_space<vmem>>, vector<1x16xf32>,
      %parallel_loop3A_207 = vector.shape_cast %parallel_loop3A_206 : vector<1x16xf32> to vector<16xf32>
      %parallel_loop3A_208 = vector.shape_cast %parallel_loop3A_203 : vector<16xf32> to vector<1x16xf32>
      tpu.vector_store %arg8[%parallel_loop3A_204, %parallel_loop3A_205], %parallel_loop3A_208 {strides = array<i32>} : memref<256x64xf32, #tpu.memory_space<vmem>>, vector<1x16xf32>,
      %parallel_loop3A_209 = arith.index_cast %parallel_loop3A_172 : i32 to index
      %parallel_loop3A_210 = arith.constant 48 : index
      %parallel_loop3A_211 = tpu.vector_load %arg6[%parallel_loop3A_209, %parallel_loop3A_210] {strides = array<i32>} : memref<256x64xf32, #tpu.memory_space<vmem>>, vector<1x16xf32>,
      %parallel_loop3A_212 = vector.shape_cast %parallel_loop3A_211 : vector<1x16xf32> to vector<16xf32>
      %parallel_loop3A_213 = arith.constant 8.000000e+00 : f32
      %parallel_loop3A_214 = vector.broadcast %parallel_loop3A_213 : f32 to vector<16xf32>
      %parallel_loop3A_215 = arith.mulf %parallel_loop3A_212, %parallel_loop3A_214 : vector<16xf32>
      %parallel_loop3A_216 = arith.index_cast %parallel_loop3A_172 : i32 to index
      %parallel_loop3A_217 = arith.constant 48 : index
      %parallel_loop3A_218 = tpu.vector_load %arg8[%parallel_loop3A_216, %parallel_loop3A_217] {strides = array<i32>} : memref<256x64xf32, #tpu.memory_space<vmem>>, vector<1x16xf32>,
      %parallel_loop3A_219 = vector.shape_cast %parallel_loop3A_218 : vector<1x16xf32> to vector<16xf32>
      %parallel_loop3A_220 = vector.shape_cast %parallel_loop3A_215 : vector<16xf32> to vector<1x16xf32>
      tpu.vector_store %arg8[%parallel_loop3A_216, %parallel_loop3A_217], %parallel_loop3A_220 {strides = array<i32>} : memref<256x64xf32, #tpu.memory_space<vmem>>, vector<1x16xf32>,
    } {sc.loop_unroll_factor = 4 : i64, sc.parallel_access}
    %dma_start3A_51 = arith.constant 4 : i32
    %dma_start3A_52 = arith.constant 0 : i32
    %dma_start3A_53 = arith.constant 0 : i32
    %dma_start3A_54 = tpu.memref_slice %arg6[%dma_start3A_52, %dma_start3A_53] : memref<256x64xf32, #tpu.memory_space<vmem>> -> memref<128x64xf32, #tpu.memory_space<vmem>>
    %dma_start3A_55 = arith.constant 0 : i32
    %dma_start3A_56 = tpu.memref_slice %arg5[%dma_start3A_51, %dma_start3A_55] : memref<200x128xi32, #tpu.memory_space<vmem>> -> memref<1x128xi32, #tpu.memory_space<vmem>>
    %dma_start3A_57 = tpu.memref_squeeze %dma_start3A_56 : memref<1x128xi32, #tpu.memory_space<vmem>> -> memref<128xi32, #tpu.memory_space<vmem>>
    %dma_start3A_58 = arith.constant 0 : i32
    %dma_start3A_59 = arith.constant 0 : i32
    %dma_start3A_60 = tpu.memref_slice %arg3[%dma_start3A_58, %dma_start3A_59] : memref<1000000x64xf32, #tpu.memory_space<hbm>> -> memref<1000000x64xf32, #tpu.memory_space<hbm>>
    tpu.enqueue_indirect_dma source(%dma_start3A_60 : memref<1000000x64xf32, #tpu.memory_space<hbm>>) target(%dma_start3A_54 : memref<128x64xf32, #tpu.memory_space<vmem>>) offsets(%dma_start3A_57 : memref<128xi32, #tpu.memory_space<vmem>>) semaphore(%arg10 : memref<!tpu.dma_semaphore, #tpu.memory_space<semaphore_mem>>)
    %dma_start3A_61 = arith.constant 5 : i32
    %dma_start3A_62 = arith.constant 128 : i32
    %dma_start3A_63 = arith.constant 0 : i32
    %dma_start3A_64 = tpu.memref_slice %arg6[%dma_start3A_62, %dma_start3A_63] : memref<256x64xf32, #tpu.memory_space<vmem>> -> memref<128x64xf32, #tpu.memory_space<vmem>>
    %dma_start3A_65 = arith.constant 0 : i32
    %dma_start3A_66 = tpu.memref_slice %arg5[%dma_start3A_61, %dma_start3A_65] : memref<200x128xi32, #tpu.memory_space<vmem>> -> memref<1x128xi32, #tpu.memory_space<vmem>>
    %dma_start3A_67 = tpu.memref_squeeze %dma_start3A_66 : memref<1x128xi32, #tpu.memory_space<vmem>> -> memref<128xi32, #tpu.memory_space<vmem>>
    %dma_start3A_68 = arith.constant 0 : i32
    %dma_start3A_69 = arith.constant 0 : i32
    %dma_start3A_70 = tpu.memref_slice %arg3[%dma_start3A_68, %dma_start3A_69] : memref<1000000x64xf32, #tpu.memory_space<hbm>> -> memref<1000000x64xf32, #tpu.memory_space<hbm>>
    tpu.enqueue_indirect_dma source(%dma_start3A_70 : memref<1000000x64xf32, #tpu.memory_space<hbm>>) target(%dma_start3A_64 : memref<128x64xf32, #tpu.memory_space<vmem>>) offsets(%dma_start3A_67 : memref<128xi32, #tpu.memory_space<vmem>>) semaphore(%arg10 : memref<!tpu.dma_semaphore, #tpu.memory_space<semaphore_mem>>)
    %add3A_71 = arith.constant 0 : i32
    %add3A_72 = arith.addi %mul3A_2, %add3A_71 : i32
    %dma_start3A_73 = arith.constant 0 : i32
    %dma_start3A_74 = tpu.memref_slice %arg4[%add3A_72, %dma_start3A_73] : memref<819200x64xf32, #tpu.memory_space<hbm>> -> memref<256x64xf32, #tpu.memory_space<hbm>>
    %dma_start3A_75 = arith.constant 0 : i32
    %dma_start3A_76 = tpu.memref_slice %arg4[%add3A_72, %dma_start3A_75] : memref<819200x64xf32, #tpu.memory_space<hbm>> -> memref<256x64xf32, #tpu.memory_space<hbm>>
    tpu.enqueue_dma source(%arg8 : memref<256x64xf32, #tpu.memory_space<vmem>>) target(%dma_start3A_76 : memref<256x64xf32, #tpu.memory_space<hbm>>) target_semaphore(%arg12 : memref<!tpu.dma_semaphore, #tpu.memory_space<semaphore_mem>>)
    %dma_wait3A_77 = arith.constant 0 : i32
    %dma_wait3A_78 = arith.constant 0 : i32
    %dma_wait3A_79 = tpu.memref_slice %arg4[%dma_wait3A_77, %dma_wait3A_78] : memref<819200x64xf32, #tpu.memory_space<hbm>> -> memref<256x64xf32, #tpu.memory_space<hbm>>
    %dma_wait3A_80 = arith.constant 0 : i32
    %dma_wait3A_81 = arith.constant 0 : i32
    %dma_wait3A_82 = tpu.memref_slice %arg4[%dma_wait3A_80, %dma_wait3A_81] : memref<819200x64xf32, #tpu.memory_space<hbm>> -> memref<256x64xf32, #tpu.memory_space<hbm>>
    tpu.wait_dma2 semaphore(%arg11 : memref<!tpu.dma_semaphore, #tpu.memory_space<semaphore_mem>>) src(%dma_wait3A_82 : memref<256x64xf32, #tpu.memory_space<hbm>>) dst(%arg7 : memref<256x64xf32, #tpu.memory_space<vmem>>)
    %parallel_loop3A_83 = arith.constant 0 : i32
    %parallel_loop3A_84 = arith.constant 256 : i32
    %parallel_loop3A_85 = arith.constant 1 : i32
    scf.for %parallel_loop3A_172 = %parallel_loop3A_83 to %parallel_loop3A_84 step %parallel_loop3A_85  : i32 {
      %parallel_loop3A_173 = arith.index_cast %parallel_loop3A_172 : i32 to index
      %parallel_loop3A_174 = arith.constant 0 : index
      %parallel_loop3A_175 = tpu.vector_load %arg7[%parallel_loop3A_173, %parallel_loop3A_174] {strides = array<i32>} : memref<256x64xf32, #tpu.memory_space<vmem>>, vector<1x16xf32>,
      %parallel_loop3A_176 = vector.shape_cast %parallel_loop3A_175 : vector<1x16xf32> to vector<16xf32>
      %parallel_loop3A_177 = arith.constant 8.000000e+00 : f32
      %parallel_loop3A_178 = vector.broadcast %parallel_loop3A_177 : f32 to vector<16xf32>
      %parallel_loop3A_179 = arith.mulf %parallel_loop3A_176, %parallel_loop3A_178 : vector<16xf32>
      %parallel_loop3A_180 = arith.index_cast %parallel_loop3A_172 : i32 to index
      %parallel_loop3A_181 = arith.constant 0 : index
      %parallel_loop3A_182 = tpu.vector_load %arg9[%parallel_loop3A_180, %parallel_loop3A_181] {strides = array<i32>} : memref<256x64xf32, #tpu.memory_space<vmem>>, vector<1x16xf32>,
      %parallel_loop3A_183 = vector.shape_cast %parallel_loop3A_182 : vector<1x16xf32> to vector<16xf32>
      %parallel_loop3A_184 = vector.shape_cast %parallel_loop3A_179 : vector<16xf32> to vector<1x16xf32>
      tpu.vector_store %arg9[%parallel_loop3A_180, %parallel_loop3A_181], %parallel_loop3A_184 {strides = array<i32>} : memref<256x64xf32, #tpu.memory_space<vmem>>, vector<1x16xf32>,
      %parallel_loop3A_185 = arith.index_cast %parallel_loop3A_172 : i32 to index
      %parallel_loop3A_186 = arith.constant 16 : index
      %parallel_loop3A_187 = tpu.vector_load %arg7[%parallel_loop3A_185, %parallel_loop3A_186] {strides = array<i32>} : memref<256x64xf32, #tpu.memory_space<vmem>>, vector<1x16xf32>,
      %parallel_loop3A_188 = vector.shape_cast %parallel_loop3A_187 : vector<1x16xf32> to vector<16xf32>
      %parallel_loop3A_189 = arith.constant 8.000000e+00 : f32
      %parallel_loop3A_190 = vector.broadcast %parallel_loop3A_189 : f32 to vector<16xf32>
      %parallel_loop3A_191 = arith.mulf %parallel_loop3A_188, %parallel_loop3A_190 : vector<16xf32>
      %parallel_loop3A_192 = arith.index_cast %parallel_loop3A_172 : i32 to index
      %parallel_loop3A_193 = arith.constant 16 : index
      %parallel_loop3A_194 = tpu.vector_load %arg9[%parallel_loop3A_192, %parallel_loop3A_193] {strides = array<i32>} : memref<256x64xf32, #tpu.memory_space<vmem>>, vector<1x16xf32>,
      %parallel_loop3A_195 = vector.shape_cast %parallel_loop3A_194 : vector<1x16xf32> to vector<16xf32>
      %parallel_loop3A_196 = vector.shape_cast %parallel_loop3A_191 : vector<16xf32> to vector<1x16xf32>
      tpu.vector_store %arg9[%parallel_loop3A_192, %parallel_loop3A_193], %parallel_loop3A_196 {strides = array<i32>} : memref<256x64xf32, #tpu.memory_space<vmem>>, vector<1x16xf32>,
      %parallel_loop3A_197 = arith.index_cast %parallel_loop3A_172 : i32 to index
      %parallel_loop3A_198 = arith.constant 32 : index
      %parallel_loop3A_199 = tpu.vector_load %arg7[%parallel_loop3A_197, %parallel_loop3A_198] {strides = array<i32>} : memref<256x64xf32, #tpu.memory_space<vmem>>, vector<1x16xf32>,
      %parallel_loop3A_200 = vector.shape_cast %parallel_loop3A_199 : vector<1x16xf32> to vector<16xf32>
      %parallel_loop3A_201 = arith.constant 8.000000e+00 : f32
      %parallel_loop3A_202 = vector.broadcast %parallel_loop3A_201 : f32 to vector<16xf32>
      %parallel_loop3A_203 = arith.mulf %parallel_loop3A_200, %parallel_loop3A_202 : vector<16xf32>
      %parallel_loop3A_204 = arith.index_cast %parallel_loop3A_172 : i32 to index
      %parallel_loop3A_205 = arith.constant 32 : index
      %parallel_loop3A_206 = tpu.vector_load %arg9[%parallel_loop3A_204, %parallel_loop3A_205] {strides = array<i32>} : memref<256x64xf32, #tpu.memory_space<vmem>>, vector<1x16xf32>,
      %parallel_loop3A_207 = vector.shape_cast %parallel_loop3A_206 : vector<1x16xf32> to vector<16xf32>
      %parallel_loop3A_208 = vector.shape_cast %parallel_loop3A_203 : vector<16xf32> to vector<1x16xf32>
      tpu.vector_store %arg9[%parallel_loop3A_204, %parallel_loop3A_205], %parallel_loop3A_208 {strides = array<i32>} : memref<256x64xf32, #tpu.memory_space<vmem>>, vector<1x16xf32>,
      %parallel_loop3A_209 = arith.index_cast %parallel_loop3A_172 : i32 to index
      %parallel_loop3A_210 = arith.constant 48 : index
      %parallel_loop3A_211 = tpu.vector_load %arg7[%parallel_loop3A_209, %parallel_loop3A_210] {strides = array<i32>} : memref<256x64xf32, #tpu.memory_space<vmem>>, vector<1x16xf32>,
      %parallel_loop3A_212 = vector.shape_cast %parallel_loop3A_211 : vector<1x16xf32> to vector<16xf32>
      %parallel_loop3A_213 = arith.constant 8.000000e+00 : f32
      %parallel_loop3A_214 = vector.broadcast %parallel_loop3A_213 : f32 to vector<16xf32>
      %parallel_loop3A_215 = arith.mulf %parallel_loop3A_212, %parallel_loop3A_214 : vector<16xf32>
      %parallel_loop3A_216 = arith.index_cast %parallel_loop3A_172 : i32 to index
      %parallel_loop3A_217 = arith.constant 48 : index
      %parallel_loop3A_218 = tpu.vector_load %arg9[%parallel_loop3A_216, %parallel_loop3A_217] {strides = array<i32>} : memref<256x64xf32, #tpu.memory_space<vmem>>, vector<1x16xf32>,
      %parallel_loop3A_219 = vector.shape_cast %parallel_loop3A_218 : vector<1x16xf32> to vector<16xf32>
      %parallel_loop3A_220 = vector.shape_cast %parallel_loop3A_215 : vector<16xf32> to vector<1x16xf32>
      tpu.vector_store %arg9[%parallel_loop3A_216, %parallel_loop3A_217], %parallel_loop3A_220 {strides = array<i32>} : memref<256x64xf32, #tpu.memory_space<vmem>>, vector<1x16xf32>,
    } {sc.loop_unroll_factor = 4 : i64, sc.parallel_access}
    %dma_start3A_86 = arith.constant 6 : i32
    %dma_start3A_87 = arith.constant 0 : i32
    %dma_start3A_88 = arith.constant 0 : i32
    %dma_start3A_89 = tpu.memref_slice %arg7[%dma_start3A_87, %dma_start3A_88] : memref<256x64xf32, #tpu.memory_space<vmem>> -> memref<128x64xf32, #tpu.memory_space<vmem>>
    %dma_start3A_90 = arith.constant 0 : i32
    %dma_start3A_91 = tpu.memref_slice %arg5[%dma_start3A_86, %dma_start3A_90] : memref<200x128xi32, #tpu.memory_space<vmem>> -> memref<1x128xi32, #tpu.memory_space<vmem>>
    %dma_start3A_92 = tpu.memref_squeeze %dma_start3A_91 : memref<1x128xi32, #tpu.memory_space<vmem>> -> memref<128xi32, #tpu.memory_space<vmem>>
    %dma_start3A_93 = arith.constant 0 : i32
    %dma_start3A_94 = arith.constant 0 : i32
    %dma_start3A_95 = tpu.memref_slice %arg3[%dma_start3A_93, %dma_start3A_94] : memref<1000000x64xf32, #tpu.memory_space<hbm>> -> memref<1000000x64xf32, #tpu.memory_space<hbm>>
    tpu.enqueue_indirect_dma source(%dma_start3A_95 : memref<1000000x64xf32, #tpu.memory_space<hbm>>) target(%dma_start3A_89 : memref<128x64xf32, #tpu.memory_space<vmem>>) offsets(%dma_start3A_92 : memref<128xi32, #tpu.memory_space<vmem>>) semaphore(%arg11 : memref<!tpu.dma_semaphore, #tpu.memory_space<semaphore_mem>>)
    %dma_start3A_96 = arith.constant 7 : i32
    %dma_start3A_97 = arith.constant 128 : i32
    %dma_start3A_98 = arith.constant 0 : i32
    %dma_start3A_99 = tpu.memref_slice %arg7[%dma_start3A_97, %dma_start3A_98] : memref<256x64xf32, #tpu.memory_space<vmem>> -> memref<128x64xf32, #tpu.memory_space<vmem>>
    %dma_start3A_100 = arith.constant 0 : i32
    %dma_start3A_101 = tpu.memref_slice %arg5[%dma_start3A_96, %dma_start3A_100] : memref<200x128xi32, #tpu.memory_space<vmem>> -> memref<1x128xi32, #tpu.memory_space<vmem>>
    %dma_start3A_102 = tpu.memref_squeeze %dma_start3A_101 : memref<1x128xi32, #tpu.memory_space<vmem>> -> memref<128xi32, #tpu.memory_space<vmem>>
    %dma_start3A_103 = arith.constant 0 : i32
    %dma_start3A_104 = arith.constant 0 : i32
    %dma_start3A_105 = tpu.memref_slice %arg3[%dma_start3A_103, %dma_start3A_104] : memref<1000000x64xf32, #tpu.memory_space<hbm>> -> memref<1000000x64xf32, #tpu.memory_space<hbm>>
    tpu.enqueue_indirect_dma source(%dma_start3A_105 : memref<1000000x64xf32, #tpu.memory_space<hbm>>) target(%dma_start3A_99 : memref<128x64xf32, #tpu.memory_space<vmem>>) offsets(%dma_start3A_102 : memref<128xi32, #tpu.memory_space<vmem>>) semaphore(%arg11 : memref<!tpu.dma_semaphore, #tpu.memory_space<semaphore_mem>>)
    %add3A_106 = arith.constant 256 : i32
    %add3A_107 = arith.addi %mul3A_2, %add3A_106 : i32
    %dma_start3A_108 = arith.constant 0 : i32
    %dma_start3A_109 = tpu.memref_slice %arg4[%add3A_107, %dma_start3A_108] : memref<819200x64xf32, #tpu.memory_space<hbm>> -> memref<256x64xf32, #tpu.memory_space<hbm>>
    %dma_start3A_110 = arith.constant 0 : i32
    %dma_start3A_111 = tpu.memref_slice %arg4[%add3A_107, %dma_start3A_110] : memref<819200x64xf32, #tpu.memory_space<hbm>> -> memref<256x64xf32, #tpu.memory_space<hbm>>
    tpu.enqueue_dma source(%arg9 : memref<256x64xf32, #tpu.memory_space<vmem>>) target(%dma_start3A_111 : memref<256x64xf32, #tpu.memory_space<hbm>>) target_semaphore(%arg13 : memref<!tpu.dma_semaphore, #tpu.memory_space<semaphore_mem>>)
    %scan3A = arith.constant 0 : i32
    %scan3A_112 = arith.constant 1 : i32
    %scan3A_113 = arith.constant 48 : i32
    %scan3A_114 = arith.addi %scan3A_112, %scan3A_113 : i32
    %scan3A_115 = arith.constant 1 : i32
    %scan3A_116 = scf.for %scan3A_172 = %scan3A_112 to %scan3A_114 step %scan3A_115 iter_args(%scan3A_173 = %scan3A) -> (i32)  : i32 {
      %mul3A_174 = arith.constant 2 : i32
      %mul3A_175 = arith.muli %mul3A_174, %scan3A_172 : i32
      %add3A_176 = arith.constant 0 : i32
      %add3A_177 = arith.addi %mul3A_175, %add3A_176 : i32
      %dma_wait3A_178 = arith.constant 0 : i32
      %dma_wait3A_179 = arith.constant 0 : i32
      %dma_wait3A_180 = tpu.memref_slice %arg4[%dma_wait3A_178, %dma_wait3A_179] : memref<819200x64xf32, #tpu.memory_space<hbm>> -> memref<256x64xf32, #tpu.memory_space<hbm>>
      %dma_wait3A_181 = arith.constant 0 : i32
      %dma_wait3A_182 = arith.constant 0 : i32
      %dma_wait3A_183 = tpu.memref_slice %arg4[%dma_wait3A_181, %dma_wait3A_182] : memref<819200x64xf32, #tpu.memory_space<hbm>> -> memref<256x64xf32, #tpu.memory_space<hbm>>
      tpu.wait_dma2 semaphore(%arg10 : memref<!tpu.dma_semaphore, #tpu.memory_space<semaphore_mem>>) src(%dma_wait3A_183 : memref<256x64xf32, #tpu.memory_space<hbm>>) dst(%arg6 : memref<256x64xf32, #tpu.memory_space<vmem>>)
      %dma_wait3A_184 = arith.constant 0 : i32
      %dma_wait3A_185 = arith.constant 0 : i32
      %dma_wait3A_186 = tpu.memref_slice %arg4[%dma_wait3A_184, %dma_wait3A_185] : memref<819200x64xf32, #tpu.memory_space<hbm>> -> memref<256x64xf32, #tpu.memory_space<hbm>>
      %dma_wait3A_187 = arith.constant 0 : i32
      %dma_wait3A_188 = arith.constant 0 : i32
      %dma_wait3A_189 = tpu.memref_slice %arg4[%dma_wait3A_187, %dma_wait3A_188] : memref<819200x64xf32, #tpu.memory_space<hbm>> -> memref<256x64xf32, #tpu.memory_space<hbm>>
      tpu.wait_dma2 semaphore(%arg12 : memref<!tpu.dma_semaphore, #tpu.memory_space<semaphore_mem>>) src(%arg8 : memref<256x64xf32, #tpu.memory_space<vmem>>) dst(%dma_wait3A_189 : memref<256x64xf32, #tpu.memory_space<hbm>>)
      %parallel_loop3A_190 = arith.constant 0 : i32
      %parallel_loop3A_191 = arith.constant 256 : i32
      %parallel_loop3A_192 = arith.constant 1 : i32
      scf.for %parallel_loop3A_283 = %parallel_loop3A_190 to %parallel_loop3A_191 step %parallel_loop3A_192  : i32 {
        %parallel_loop3A_284 = arith.index_cast %parallel_loop3A_283 : i32 to index
        %parallel_loop3A_285 = arith.constant 0 : index
        %parallel_loop3A_286 = tpu.vector_load %arg6[%parallel_loop3A_284, %parallel_loop3A_285] {strides = array<i32>} : memref<256x64xf32, #tpu.memory_space<vmem>>, vector<1x16xf32>,
        %parallel_loop3A_287 = vector.shape_cast %parallel_loop3A_286 : vector<1x16xf32> to vector<16xf32>
        %parallel_loop3A_288 = arith.constant 8.000000e+00 : f32
        %parallel_loop3A_289 = vector.broadcast %parallel_loop3A_288 : f32 to vector<16xf32>
        %parallel_loop3A_290 = arith.mulf %parallel_loop3A_287, %parallel_loop3A_289 : vector<16xf32>
        %parallel_loop3A_291 = arith.index_cast %parallel_loop3A_283 : i32 to index
        %parallel_loop3A_292 = arith.constant 0 : index
        %parallel_loop3A_293 = tpu.vector_load %arg8[%parallel_loop3A_291, %parallel_loop3A_292] {strides = array<i32>} : memref<256x64xf32, #tpu.memory_space<vmem>>, vector<1x16xf32>,
        %parallel_loop3A_294 = vector.shape_cast %parallel_loop3A_293 : vector<1x16xf32> to vector<16xf32>
        %parallel_loop3A_295 = vector.shape_cast %parallel_loop3A_290 : vector<16xf32> to vector<1x16xf32>
        tpu.vector_store %arg8[%parallel_loop3A_291, %parallel_loop3A_292], %parallel_loop3A_295 {strides = array<i32>} : memref<256x64xf32, #tpu.memory_space<vmem>>, vector<1x16xf32>,
        %parallel_loop3A_296 = arith.index_cast %parallel_loop3A_283 : i32 to index
        %parallel_loop3A_297 = arith.constant 16 : index
        %parallel_loop3A_298 = tpu.vector_load %arg6[%parallel_loop3A_296, %parallel_loop3A_297] {strides = array<i32>} : memref<256x64xf32, #tpu.memory_space<vmem>>, vector<1x16xf32>,
        %parallel_loop3A_299 = vector.shape_cast %parallel_loop3A_298 : vector<1x16xf32> to vector<16xf32>
        %parallel_loop3A_300 = arith.constant 8.000000e+00 : f32
        %parallel_loop3A_301 = vector.broadcast %parallel_loop3A_300 : f32 to vector<16xf32>
        %parallel_loop3A_302 = arith.mulf %parallel_loop3A_299, %parallel_loop3A_301 : vector<16xf32>
        %parallel_loop3A_303 = arith.index_cast %parallel_loop3A_283 : i32 to index
        %parallel_loop3A_304 = arith.constant 16 : index
        %parallel_loop3A_305 = tpu.vector_load %arg8[%parallel_loop3A_303, %parallel_loop3A_304] {strides = array<i32>} : memref<256x64xf32, #tpu.memory_space<vmem>>, vector<1x16xf32>,
        %parallel_loop3A_306 = vector.shape_cast %parallel_loop3A_305 : vector<1x16xf32> to vector<16xf32>
        %parallel_loop3A_307 = vector.shape_cast %parallel_loop3A_302 : vector<16xf32> to vector<1x16xf32>
        tpu.vector_store %arg8[%parallel_loop3A_303, %parallel_loop3A_304], %parallel_loop3A_307 {strides = array<i32>} : memref<256x64xf32, #tpu.memory_space<vmem>>, vector<1x16xf32>,
        %parallel_loop3A_308 = arith.index_cast %parallel_loop3A_283 : i32 to index
        %parallel_loop3A_309 = arith.constant 32 : index
        %parallel_loop3A_310 = tpu.vector_load %arg6[%parallel_loop3A_308, %parallel_loop3A_309] {strides = array<i32>} : memref<256x64xf32, #tpu.memory_space<vmem>>, vector<1x16xf32>,
        %parallel_loop3A_311 = vector.shape_cast %parallel_loop3A_310 : vector<1x16xf32> to vector<16xf32>
        %parallel_loop3A_312 = arith.constant 8.000000e+00 : f32
        %parallel_loop3A_313 = vector.broadcast %parallel_loop3A_312 : f32 to vector<16xf32>
        %parallel_loop3A_314 = arith.mulf %parallel_loop3A_311, %parallel_loop3A_313 : vector<16xf32>
        %parallel_loop3A_315 = arith.index_cast %parallel_loop3A_283 : i32 to index
        %parallel_loop3A_316 = arith.constant 32 : index
        %parallel_loop3A_317 = tpu.vector_load %arg8[%parallel_loop3A_315, %parallel_loop3A_316] {strides = array<i32>} : memref<256x64xf32, #tpu.memory_space<vmem>>, vector<1x16xf32>,
        %parallel_loop3A_318 = vector.shape_cast %parallel_loop3A_317 : vector<1x16xf32> to vector<16xf32>
        %parallel_loop3A_319 = vector.shape_cast %parallel_loop3A_314 : vector<16xf32> to vector<1x16xf32>
        tpu.vector_store %arg8[%parallel_loop3A_315, %parallel_loop3A_316], %parallel_loop3A_319 {strides = array<i32>} : memref<256x64xf32, #tpu.memory_space<vmem>>, vector<1x16xf32>,
        %parallel_loop3A_320 = arith.index_cast %parallel_loop3A_283 : i32 to index
        %parallel_loop3A_321 = arith.constant 48 : index
        %parallel_loop3A_322 = tpu.vector_load %arg6[%parallel_loop3A_320, %parallel_loop3A_321] {strides = array<i32>} : memref<256x64xf32, #tpu.memory_space<vmem>>, vector<1x16xf32>,
        %parallel_loop3A_323 = vector.shape_cast %parallel_loop3A_322 : vector<1x16xf32> to vector<16xf32>
        %parallel_loop3A_324 = arith.constant 8.000000e+00 : f32
        %parallel_loop3A_325 = vector.broadcast %parallel_loop3A_324 : f32 to vector<16xf32>
        %parallel_loop3A_326 = arith.mulf %parallel_loop3A_323, %parallel_loop3A_325 : vector<16xf32>
        %parallel_loop3A_327 = arith.index_cast %parallel_loop3A_283 : i32 to index
        %parallel_loop3A_328 = arith.constant 48 : index
        %parallel_loop3A_329 = tpu.vector_load %arg8[%parallel_loop3A_327, %parallel_loop3A_328] {strides = array<i32>} : memref<256x64xf32, #tpu.memory_space<vmem>>, vector<1x16xf32>,
        %parallel_loop3A_330 = vector.shape_cast %parallel_loop3A_329 : vector<1x16xf32> to vector<16xf32>
        %parallel_loop3A_331 = vector.shape_cast %parallel_loop3A_326 : vector<16xf32> to vector<1x16xf32>
        tpu.vector_store %arg8[%parallel_loop3A_327, %parallel_loop3A_328], %parallel_loop3A_331 {strides = array<i32>} : memref<256x64xf32, #tpu.memory_space<vmem>>, vector<1x16xf32>,
      } {sc.loop_unroll_factor = 4 : i64, sc.parallel_access}
      %add3A_193 = arith.constant 2 : i32
      %add3A_194 = arith.addi %add3A_177, %add3A_193 : i32
      %mul3A_195 = arith.constant 2 : i32
      %mul3A_196 = arith.muli %add3A_194, %mul3A_195 : i32
      %add3A_197 = arith.constant 0 : i32
      %add3A_198 = arith.addi %mul3A_196, %add3A_197 : i32
      %dma_start3A_199 = arith.constant 0 : i32
      %dma_start3A_200 = arith.constant 0 : i32
      %dma_start3A_201 = tpu.memref_slice %arg6[%dma_start3A_199, %dma_start3A_200] : memref<256x64xf32, #tpu.memory_space<vmem>> -> memref<128x64xf32, #tpu.memory_space<vmem>>
      %dma_start3A_202 = arith.constant 0 : i32
      %dma_start3A_203 = tpu.memref_slice %arg5[%add3A_198, %dma_start3A_202] : memref<200x128xi32, #tpu.memory_space<vmem>> -> memref<1x128xi32, #tpu.memory_space<vmem>>
      %dma_start3A_204 = tpu.memref_squeeze %dma_start3A_203 : memref<1x128xi32, #tpu.memory_space<vmem>> -> memref<128xi32, #tpu.memory_space<vmem>>
      %dma_start3A_205 = arith.constant 0 : i32
      %dma_start3A_206 = arith.constant 0 : i32
      %dma_start3A_207 = tpu.memref_slice %arg3[%dma_start3A_205, %dma_start3A_206] : memref<1000000x64xf32, #tpu.memory_space<hbm>> -> memref<1000000x64xf32, #tpu.memory_space<hbm>>
      tpu.enqueue_indirect_dma source(%dma_start3A_207 : memref<1000000x64xf32, #tpu.memory_space<hbm>>) target(%dma_start3A_201 : memref<128x64xf32, #tpu.memory_space<vmem>>) offsets(%dma_start3A_204 : memref<128xi32, #tpu.memory_space<vmem>>) semaphore(%arg10 : memref<!tpu.dma_semaphore, #tpu.memory_space<semaphore_mem>>)
      %mul3A_208 = arith.constant 2 : i32
      %mul3A_209 = arith.muli %add3A_194, %mul3A_208 : i32
      %add3A_210 = arith.constant 1 : i32
      %add3A_211 = arith.addi %mul3A_209, %add3A_210 : i32
      %dma_start3A_212 = arith.constant 128 : i32
      %dma_start3A_213 = arith.constant 0 : i32
      %dma_start3A_214 = tpu.memref_slice %arg6[%dma_start3A_212, %dma_start3A_213] : memref<256x64xf32, #tpu.memory_space<vmem>> -> memref<128x64xf32, #tpu.memory_space<vmem>>
      %dma_start3A_215 = arith.constant 0 : i32
      %dma_start3A_216 = tpu.memref_slice %arg5[%add3A_211, %dma_start3A_215] : memref<200x128xi32, #tpu.memory_space<vmem>> -> memref<1x128xi32, #tpu.memory_space<vmem>>
      %dma_start3A_217 = tpu.memref_squeeze %dma_start3A_216 : memref<1x128xi32, #tpu.memory_space<vmem>> -> memref<128xi32, #tpu.memory_space<vmem>>
      %dma_start3A_218 = arith.constant 0 : i32
      %dma_start3A_219 = arith.constant 0 : i32
      %dma_start3A_220 = tpu.memref_slice %arg3[%dma_start3A_218, %dma_start3A_219] : memref<1000000x64xf32, #tpu.memory_space<hbm>> -> memref<1000000x64xf32, #tpu.memory_space<hbm>>
      tpu.enqueue_indirect_dma source(%dma_start3A_220 : memref<1000000x64xf32, #tpu.memory_space<hbm>>) target(%dma_start3A_214 : memref<128x64xf32, #tpu.memory_space<vmem>>) offsets(%dma_start3A_217 : memref<128xi32, #tpu.memory_space<vmem>>) semaphore(%arg10 : memref<!tpu.dma_semaphore, #tpu.memory_space<semaphore_mem>>)
      %mul3A_221 = arith.constant 256 : i32
      %mul3A_222 = arith.muli %add3A_177, %mul3A_221 : i32
      %add3A_223 = arith.addi %mul3A_2, %mul3A_222 : i32
      %dma_start3A_224 = arith.constant 0 : i32
      %dma_start3A_225 = tpu.memref_slice %arg4[%add3A_223, %dma_start3A_224] : memref<819200x64xf32, #tpu.memory_space<hbm>> -> memref<256x64xf32, #tpu.memory_space<hbm>>
      %dma_start3A_226 = arith.constant 0 : i32
      %dma_start3A_227 = tpu.memref_slice %arg4[%add3A_223, %dma_start3A_226] : memref<819200x64xf32, #tpu.memory_space<hbm>> -> memref<256x64xf32, #tpu.memory_space<hbm>>
      tpu.enqueue_dma source(%arg8 : memref<256x64xf32, #tpu.memory_space<vmem>>) target(%dma_start3A_227 : memref<256x64xf32, #tpu.memory_space<hbm>>) target_semaphore(%arg12 : memref<!tpu.dma_semaphore, #tpu.memory_space<semaphore_mem>>)
      %mul3A_228 = arith.constant 2 : i32
      %mul3A_229 = arith.muli %mul3A_228, %scan3A_172 : i32
      %add3A_230 = arith.constant 1 : i32
      %add3A_231 = arith.addi %mul3A_229, %add3A_230 : i32
      %dma_wait3A_232 = arith.constant 0 : i32
      %dma_wait3A_233 = arith.constant 0 : i32
      %dma_wait3A_234 = tpu.memref_slice %arg4[%dma_wait3A_232, %dma_wait3A_233] : memref<819200x64xf32, #tpu.memory_space<hbm>> -> memref<256x64xf32, #tpu.memory_space<hbm>>
      %dma_wait3A_235 = arith.constant 0 : i32
      %dma_wait3A_236 = arith.constant 0 : i32
      %dma_wait3A_237 = tpu.memref_slice %arg4[%dma_wait3A_235, %dma_wait3A_236] : memref<819200x64xf32, #tpu.memory_space<hbm>> -> memref<256x64xf32, #tpu.memory_space<hbm>>
      tpu.wait_dma2 semaphore(%arg11 : memref<!tpu.dma_semaphore, #tpu.memory_space<semaphore_mem>>) src(%dma_wait3A_237 : memref<256x64xf32, #tpu.memory_space<hbm>>) dst(%arg7 : memref<256x64xf32, #tpu.memory_space<vmem>>)
      %dma_wait3A_238 = arith.constant 0 : i32
      %dma_wait3A_239 = arith.constant 0 : i32
      %dma_wait3A_240 = tpu.memref_slice %arg4[%dma_wait3A_238, %dma_wait3A_239] : memref<819200x64xf32, #tpu.memory_space<hbm>> -> memref<256x64xf32, #tpu.memory_space<hbm>>
      %dma_wait3A_241 = arith.constant 0 : i32
      %dma_wait3A_242 = arith.constant 0 : i32
      %dma_wait3A_243 = tpu.memref_slice %arg4[%dma_wait3A_241, %dma_wait3A_242] : memref<819200x64xf32, #tpu.memory_space<hbm>> -> memref<256x64xf32, #tpu.memory_space<hbm>>
      tpu.wait_dma2 semaphore(%arg13 : memref<!tpu.dma_semaphore, #tpu.memory_space<semaphore_mem>>) src(%arg9 : memref<256x64xf32, #tpu.memory_space<vmem>>) dst(%dma_wait3A_243 : memref<256x64xf32, #tpu.memory_space<hbm>>)
      %parallel_loop3A_244 = arith.constant 0 : i32
      %parallel_loop3A_245 = arith.constant 256 : i32
      %parallel_loop3A_246 = arith.constant 1 : i32
      scf.for %parallel_loop3A_283 = %parallel_loop3A_244 to %parallel_loop3A_245 step %parallel_loop3A_246  : i32 {
        %parallel_loop3A_284 = arith.index_cast %parallel_loop3A_283 : i32 to index
        %parallel_loop3A_285 = arith.constant 0 : index
        %parallel_loop3A_286 = tpu.vector_load %arg7[%parallel_loop3A_284, %parallel_loop3A_285] {strides = array<i32>} : memref<256x64xf32, #tpu.memory_space<vmem>>, vector<1x16xf32>,
        %parallel_loop3A_287 = vector.shape_cast %parallel_loop3A_286 : vector<1x16xf32> to vector<16xf32>
        %parallel_loop3A_288 = arith.constant 8.000000e+00 : f32
        %parallel_loop3A_289 = vector.broadcast %parallel_loop3A_288 : f32 to vector<16xf32>
        %parallel_loop3A_290 = arith.mulf %parallel_loop3A_287, %parallel_loop3A_289 : vector<16xf32>
        %parallel_loop3A_291 = arith.index_cast %parallel_loop3A_283 : i32 to index
        %parallel_loop3A_292 = arith.constant 0 : index
        %parallel_loop3A_293 = tpu.vector_load %arg9[%parallel_loop3A_291, %parallel_loop3A_292] {strides = array<i32>} : memref<256x64xf32, #tpu.memory_space<vmem>>, vector<1x16xf32>,
        %parallel_loop3A_294 = vector.shape_cast %parallel_loop3A_293 : vector<1x16xf32> to vector<16xf32>
        %parallel_loop3A_295 = vector.shape_cast %parallel_loop3A_290 : vector<16xf32> to vector<1x16xf32>
        tpu.vector_store %arg9[%parallel_loop3A_291, %parallel_loop3A_292], %parallel_loop3A_295 {strides = array<i32>} : memref<256x64xf32, #tpu.memory_space<vmem>>, vector<1x16xf32>,
        %parallel_loop3A_296 = arith.index_cast %parallel_loop3A_283 : i32 to index
        %parallel_loop3A_297 = arith.constant 16 : index
        %parallel_loop3A_298 = tpu.vector_load %arg7[%parallel_loop3A_296, %parallel_loop3A_297] {strides = array<i32>} : memref<256x64xf32, #tpu.memory_space<vmem>>, vector<1x16xf32>,
        %parallel_loop3A_299 = vector.shape_cast %parallel_loop3A_298 : vector<1x16xf32> to vector<16xf32>
        %parallel_loop3A_300 = arith.constant 8.000000e+00 : f32
        %parallel_loop3A_301 = vector.broadcast %parallel_loop3A_300 : f32 to vector<16xf32>
        %parallel_loop3A_302 = arith.mulf %parallel_loop3A_299, %parallel_loop3A_301 : vector<16xf32>
        %parallel_loop3A_303 = arith.index_cast %parallel_loop3A_283 : i32 to index
        %parallel_loop3A_304 = arith.constant 16 : index
        %parallel_loop3A_305 = tpu.vector_load %arg9[%parallel_loop3A_303, %parallel_loop3A_304] {strides = array<i32>} : memref<256x64xf32, #tpu.memory_space<vmem>>, vector<1x16xf32>,
        %parallel_loop3A_306 = vector.shape_cast %parallel_loop3A_305 : vector<1x16xf32> to vector<16xf32>
        %parallel_loop3A_307 = vector.shape_cast %parallel_loop3A_302 : vector<16xf32> to vector<1x16xf32>
        tpu.vector_store %arg9[%parallel_loop3A_303, %parallel_loop3A_304], %parallel_loop3A_307 {strides = array<i32>} : memref<256x64xf32, #tpu.memory_space<vmem>>, vector<1x16xf32>,
        %parallel_loop3A_308 = arith.index_cast %parallel_loop3A_283 : i32 to index
        %parallel_loop3A_309 = arith.constant 32 : index
        %parallel_loop3A_310 = tpu.vector_load %arg7[%parallel_loop3A_308, %parallel_loop3A_309] {strides = array<i32>} : memref<256x64xf32, #tpu.memory_space<vmem>>, vector<1x16xf32>,
        %parallel_loop3A_311 = vector.shape_cast %parallel_loop3A_310 : vector<1x16xf32> to vector<16xf32>
        %parallel_loop3A_312 = arith.constant 8.000000e+00 : f32
        %parallel_loop3A_313 = vector.broadcast %parallel_loop3A_312 : f32 to vector<16xf32>
        %parallel_loop3A_314 = arith.mulf %parallel_loop3A_311, %parallel_loop3A_313 : vector<16xf32>
        %parallel_loop3A_315 = arith.index_cast %parallel_loop3A_283 : i32 to index
        %parallel_loop3A_316 = arith.constant 32 : index
        %parallel_loop3A_317 = tpu.vector_load %arg9[%parallel_loop3A_315, %parallel_loop3A_316] {strides = array<i32>} : memref<256x64xf32, #tpu.memory_space<vmem>>, vector<1x16xf32>,
        %parallel_loop3A_318 = vector.shape_cast %parallel_loop3A_317 : vector<1x16xf32> to vector<16xf32>
        %parallel_loop3A_319 = vector.shape_cast %parallel_loop3A_314 : vector<16xf32> to vector<1x16xf32>
        tpu.vector_store %arg9[%parallel_loop3A_315, %parallel_loop3A_316], %parallel_loop3A_319 {strides = array<i32>} : memref<256x64xf32, #tpu.memory_space<vmem>>, vector<1x16xf32>,
        %parallel_loop3A_320 = arith.index_cast %parallel_loop3A_283 : i32 to index
        %parallel_loop3A_321 = arith.constant 48 : index
        %parallel_loop3A_322 = tpu.vector_load %arg7[%parallel_loop3A_320, %parallel_loop3A_321] {strides = array<i32>} : memref<256x64xf32, #tpu.memory_space<vmem>>, vector<1x16xf32>,
        %parallel_loop3A_323 = vector.shape_cast %parallel_loop3A_322 : vector<1x16xf32> to vector<16xf32>
        %parallel_loop3A_324 = arith.constant 8.000000e+00 : f32
        %parallel_loop3A_325 = vector.broadcast %parallel_loop3A_324 : f32 to vector<16xf32>
        %parallel_loop3A_326 = arith.mulf %parallel_loop3A_323, %parallel_loop3A_325 : vector<16xf32>
        %parallel_loop3A_327 = arith.index_cast %parallel_loop3A_283 : i32 to index
        %parallel_loop3A_328 = arith.constant 48 : index
        %parallel_loop3A_329 = tpu.vector_load %arg9[%parallel_loop3A_327, %parallel_loop3A_328] {strides = array<i32>} : memref<256x64xf32, #tpu.memory_space<vmem>>, vector<1x16xf32>,
        %parallel_loop3A_330 = vector.shape_cast %parallel_loop3A_329 : vector<1x16xf32> to vector<16xf32>
        %parallel_loop3A_331 = vector.shape_cast %parallel_loop3A_326 : vector<16xf32> to vector<1x16xf32>
        tpu.vector_store %arg9[%parallel_loop3A_327, %parallel_loop3A_328], %parallel_loop3A_331 {strides = array<i32>} : memref<256x64xf32, #tpu.memory_space<vmem>>, vector<1x16xf32>,
      } {sc.loop_unroll_factor = 4 : i64, sc.parallel_access}
      %add3A_247 = arith.constant 2 : i32
      %add3A_248 = arith.addi %add3A_231, %add3A_247 : i32
      %mul3A_249 = arith.constant 2 : i32
      %mul3A_250 = arith.muli %add3A_248, %mul3A_249 : i32
      %add3A_251 = arith.constant 0 : i32
      %add3A_252 = arith.addi %mul3A_250, %add3A_251 : i32
      %dma_start3A_253 = arith.constant 0 : i32
      %dma_start3A_254 = arith.constant 0 : i32
      %dma_start3A_255 = tpu.memref_slice %arg7[%dma_start3A_253, %dma_start3A_254] : memref<256x64xf32, #tpu.memory_space<vmem>> -> memref<128x64xf32, #tpu.memory_space<vmem>>
      %dma_start3A_256 = arith.constant 0 : i32
      %dma_start3A_257 = tpu.memref_slice %arg5[%add3A_252, %dma_start3A_256] : memref<200x128xi32, #tpu.memory_space<vmem>> -> memref<1x128xi32, #tpu.memory_space<vmem>>
      %dma_start3A_258 = tpu.memref_squeeze %dma_start3A_257 : memref<1x128xi32, #tpu.memory_space<vmem>> -> memref<128xi32, #tpu.memory_space<vmem>>
      %dma_start3A_259 = arith.constant 0 : i32
      %dma_start3A_260 = arith.constant 0 : i32
      %dma_start3A_261 = tpu.memref_slice %arg3[%dma_start3A_259, %dma_start3A_260] : memref<1000000x64xf32, #tpu.memory_space<hbm>> -> memref<1000000x64xf32, #tpu.memory_space<hbm>>
      tpu.enqueue_indirect_dma source(%dma_start3A_261 : memref<1000000x64xf32, #tpu.memory_space<hbm>>) target(%dma_start3A_255 : memref<128x64xf32, #tpu.memory_space<vmem>>) offsets(%dma_start3A_258 : memref<128xi32, #tpu.memory_space<vmem>>) semaphore(%arg11 : memref<!tpu.dma_semaphore, #tpu.memory_space<semaphore_mem>>)
      %mul3A_262 = arith.constant 2 : i32
      %mul3A_263 = arith.muli %add3A_248, %mul3A_262 : i32
      %add3A_264 = arith.constant 1 : i32
      %add3A_265 = arith.addi %mul3A_263, %add3A_264 : i32
      %dma_start3A_266 = arith.constant 128 : i32
      %dma_start3A_267 = arith.constant 0 : i32
      %dma_start3A_268 = tpu.memref_slice %arg7[%dma_start3A_266, %dma_start3A_267] : memref<256x64xf32, #tpu.memory_space<vmem>> -> memref<128x64xf32, #tpu.memory_space<vmem>>
      %dma_start3A_269 = arith.constant 0 : i32
      %dma_start3A_270 = tpu.memref_slice %arg5[%add3A_265, %dma_start3A_269] : memref<200x128xi32, #tpu.memory_space<vmem>> -> memref<1x128xi32, #tpu.memory_space<vmem>>
      %dma_start3A_271 = tpu.memref_squeeze %dma_start3A_270 : memref<1x128xi32, #tpu.memory_space<vmem>> -> memref<128xi32, #tpu.memory_space<vmem>>
      %dma_start3A_272 = arith.constant 0 : i32
      %dma_start3A_273 = arith.constant 0 : i32
      %dma_start3A_274 = tpu.memref_slice %arg3[%dma_start3A_272, %dma_start3A_273] : memref<1000000x64xf32, #tpu.memory_space<hbm>> -> memref<1000000x64xf32, #tpu.memory_space<hbm>>
      tpu.enqueue_indirect_dma source(%dma_start3A_274 : memref<1000000x64xf32, #tpu.memory_space<hbm>>) target(%dma_start3A_268 : memref<128x64xf32, #tpu.memory_space<vmem>>) offsets(%dma_start3A_271 : memref<128xi32, #tpu.memory_space<vmem>>) semaphore(%arg11 : memref<!tpu.dma_semaphore, #tpu.memory_space<semaphore_mem>>)
      %mul3A_275 = arith.constant 256 : i32
      %mul3A_276 = arith.muli %add3A_231, %mul3A_275 : i32
      %add3A_277 = arith.addi %mul3A_2, %mul3A_276 : i32
      %dma_start3A_278 = arith.constant 0 : i32
      %dma_start3A_279 = tpu.memref_slice %arg4[%add3A_277, %dma_start3A_278] : memref<819200x64xf32, #tpu.memory_space<hbm>> -> memref<256x64xf32, #tpu.memory_space<hbm>>
      %dma_start3A_280 = arith.constant 0 : i32
      %dma_start3A_281 = tpu.memref_slice %arg4[%add3A_277, %dma_start3A_280] : memref<819200x64xf32, #tpu.memory_space<hbm>> -> memref<256x64xf32, #tpu.memory_space<hbm>>
      tpu.enqueue_dma source(%arg9 : memref<256x64xf32, #tpu.memory_space<vmem>>) target(%dma_start3A_281 : memref<256x64xf32, #tpu.memory_space<hbm>>) target_semaphore(%arg13 : memref<!tpu.dma_semaphore, #tpu.memory_space<semaphore_mem>>)
      %scan3A_282 = arith.constant 0 : i32
      scf.yield %scan3A_282 : i32
    }
    %scan3A_117 = arith.constant 48 : i32
    %dma_wait3A_118 = arith.constant 0 : i32
    %dma_wait3A_119 = arith.constant 0 : i32
    %dma_wait3A_120 = tpu.memref_slice %arg4[%dma_wait3A_118, %dma_wait3A_119] : memref<819200x64xf32, #tpu.memory_space<hbm>> -> memref<256x64xf32, #tpu.memory_space<hbm>>
    %dma_wait3A_121 = arith.constant 0 : i32
    %dma_wait3A_122 = arith.constant 0 : i32
    %dma_wait3A_123 = tpu.memref_slice %arg4[%dma_wait3A_121, %dma_wait3A_122] : memref<819200x64xf32, #tpu.memory_space<hbm>> -> memref<256x64xf32, #tpu.memory_space<hbm>>
    tpu.wait_dma2 semaphore(%arg10 : memref<!tpu.dma_semaphore, #tpu.memory_space<semaphore_mem>>) src(%dma_wait3A_123 : memref<256x64xf32, #tpu.memory_space<hbm>>) dst(%arg6 : memref<256x64xf32, #tpu.memory_space<vmem>>)
    %dma_wait3A_124 = arith.constant 0 : i32
    %dma_wait3A_125 = arith.constant 0 : i32
    %dma_wait3A_126 = tpu.memref_slice %arg4[%dma_wait3A_124, %dma_wait3A_125] : memref<819200x64xf32, #tpu.memory_space<hbm>> -> memref<256x64xf32, #tpu.memory_space<hbm>>
    %dma_wait3A_127 = arith.constant 0 : i32
    %dma_wait3A_128 = arith.constant 0 : i32
    %dma_wait3A_129 = tpu.memref_slice %arg4[%dma_wait3A_127, %dma_wait3A_128] : memref<819200x64xf32, #tpu.memory_space<hbm>> -> memref<256x64xf32, #tpu.memory_space<hbm>>
    tpu.wait_dma2 semaphore(%arg12 : memref<!tpu.dma_semaphore, #tpu.memory_space<semaphore_mem>>) src(%arg8 : memref<256x64xf32, #tpu.memory_space<vmem>>) dst(%dma_wait3A_129 : memref<256x64xf32, #tpu.memory_space<hbm>>)
    %parallel_loop3A_130 = arith.constant 0 : i32
    %parallel_loop3A_131 = arith.constant 256 : i32
    %parallel_loop3A_132 = arith.constant 1 : i32
    scf.for %parallel_loop3A_172 = %parallel_loop3A_130 to %parallel_loop3A_131 step %parallel_loop3A_132  : i32 {
      %parallel_loop3A_173 = arith.index_cast %parallel_loop3A_172 : i32 to index
      %parallel_loop3A_174 = arith.constant 0 : index
      %parallel_loop3A_175 = tpu.vector_load %arg6[%parallel_loop3A_173, %parallel_loop3A_174] {strides = array<i32>} : memref<256x64xf32, #tpu.memory_space<vmem>>, vector<1x16xf32>,
      %parallel_loop3A_176 = vector.shape_cast %parallel_loop3A_175 : vector<1x16xf32> to vector<16xf32>
      %parallel_loop3A_177 = arith.constant 8.000000e+00 : f32
      %parallel_loop3A_178 = vector.broadcast %parallel_loop3A_177 : f32 to vector<16xf32>
      %parallel_loop3A_179 = arith.mulf %parallel_loop3A_176, %parallel_loop3A_178 : vector<16xf32>
      %parallel_loop3A_180 = arith.index_cast %parallel_loop3A_172 : i32 to index
      %parallel_loop3A_181 = arith.constant 0 : index
      %parallel_loop3A_182 = tpu.vector_load %arg8[%parallel_loop3A_180, %parallel_loop3A_181] {strides = array<i32>} : memref<256x64xf32, #tpu.memory_space<vmem>>, vector<1x16xf32>,
      %parallel_loop3A_183 = vector.shape_cast %parallel_loop3A_182 : vector<1x16xf32> to vector<16xf32>
      %parallel_loop3A_184 = vector.shape_cast %parallel_loop3A_179 : vector<16xf32> to vector<1x16xf32>
      tpu.vector_store %arg8[%parallel_loop3A_180, %parallel_loop3A_181], %parallel_loop3A_184 {strides = array<i32>} : memref<256x64xf32, #tpu.memory_space<vmem>>, vector<1x16xf32>,
      %parallel_loop3A_185 = arith.index_cast %parallel_loop3A_172 : i32 to index
      %parallel_loop3A_186 = arith.constant 16 : index
      %parallel_loop3A_187 = tpu.vector_load %arg6[%parallel_loop3A_185, %parallel_loop3A_186] {strides = array<i32>} : memref<256x64xf32, #tpu.memory_space<vmem>>, vector<1x16xf32>,
      %parallel_loop3A_188 = vector.shape_cast %parallel_loop3A_187 : vector<1x16xf32> to vector<16xf32>
      %parallel_loop3A_189 = arith.constant 8.000000e+00 : f32
      %parallel_loop3A_190 = vector.broadcast %parallel_loop3A_189 : f32 to vector<16xf32>
      %parallel_loop3A_191 = arith.mulf %parallel_loop3A_188, %parallel_loop3A_190 : vector<16xf32>
      %parallel_loop3A_192 = arith.index_cast %parallel_loop3A_172 : i32 to index
      %parallel_loop3A_193 = arith.constant 16 : index
      %parallel_loop3A_194 = tpu.vector_load %arg8[%parallel_loop3A_192, %parallel_loop3A_193] {strides = array<i32>} : memref<256x64xf32, #tpu.memory_space<vmem>>, vector<1x16xf32>,
      %parallel_loop3A_195 = vector.shape_cast %parallel_loop3A_194 : vector<1x16xf32> to vector<16xf32>
      %parallel_loop3A_196 = vector.shape_cast %parallel_loop3A_191 : vector<16xf32> to vector<1x16xf32>
      tpu.vector_store %arg8[%parallel_loop3A_192, %parallel_loop3A_193], %parallel_loop3A_196 {strides = array<i32>} : memref<256x64xf32, #tpu.memory_space<vmem>>, vector<1x16xf32>,
      %parallel_loop3A_197 = arith.index_cast %parallel_loop3A_172 : i32 to index
      %parallel_loop3A_198 = arith.constant 32 : index
      %parallel_loop3A_199 = tpu.vector_load %arg6[%parallel_loop3A_197, %parallel_loop3A_198] {strides = array<i32>} : memref<256x64xf32, #tpu.memory_space<vmem>>, vector<1x16xf32>,
      %parallel_loop3A_200 = vector.shape_cast %parallel_loop3A_199 : vector<1x16xf32> to vector<16xf32>
      %parallel_loop3A_201 = arith.constant 8.000000e+00 : f32
      %parallel_loop3A_202 = vector.broadcast %parallel_loop3A_201 : f32 to vector<16xf32>
      %parallel_loop3A_203 = arith.mulf %parallel_loop3A_200, %parallel_loop3A_202 : vector<16xf32>
      %parallel_loop3A_204 = arith.index_cast %parallel_loop3A_172 : i32 to index
      %parallel_loop3A_205 = arith.constant 32 : index
      %parallel_loop3A_206 = tpu.vector_load %arg8[%parallel_loop3A_204, %parallel_loop3A_205] {strides = array<i32>} : memref<256x64xf32, #tpu.memory_space<vmem>>, vector<1x16xf32>,
      %parallel_loop3A_207 = vector.shape_cast %parallel_loop3A_206 : vector<1x16xf32> to vector<16xf32>
      %parallel_loop3A_208 = vector.shape_cast %parallel_loop3A_203 : vector<16xf32> to vector<1x16xf32>
      tpu.vector_store %arg8[%parallel_loop3A_204, %parallel_loop3A_205], %parallel_loop3A_208 {strides = array<i32>} : memref<256x64xf32, #tpu.memory_space<vmem>>, vector<1x16xf32>,
      %parallel_loop3A_209 = arith.index_cast %parallel_loop3A_172 : i32 to index
      %parallel_loop3A_210 = arith.constant 48 : index
      %parallel_loop3A_211 = tpu.vector_load %arg6[%parallel_loop3A_209, %parallel_loop3A_210] {strides = array<i32>} : memref<256x64xf32, #tpu.memory_space<vmem>>, vector<1x16xf32>,
      %parallel_loop3A_212 = vector.shape_cast %parallel_loop3A_211 : vector<1x16xf32> to vector<16xf32>
      %parallel_loop3A_213 = arith.constant 8.000000e+00 : f32
      %parallel_loop3A_214 = vector.broadcast %parallel_loop3A_213 : f32 to vector<16xf32>
      %parallel_loop3A_215 = arith.mulf %parallel_loop3A_212, %parallel_loop3A_214 : vector<16xf32>
      %parallel_loop3A_216 = arith.index_cast %parallel_loop3A_172 : i32 to index
      %parallel_loop3A_217 = arith.constant 48 : index
      %parallel_loop3A_218 = tpu.vector_load %arg8[%parallel_loop3A_216, %parallel_loop3A_217] {strides = array<i32>} : memref<256x64xf32, #tpu.memory_space<vmem>>, vector<1x16xf32>,
      %parallel_loop3A_219 = vector.shape_cast %parallel_loop3A_218 : vector<1x16xf32> to vector<16xf32>
      %parallel_loop3A_220 = vector.shape_cast %parallel_loop3A_215 : vector<16xf32> to vector<1x16xf32>
      tpu.vector_store %arg8[%parallel_loop3A_216, %parallel_loop3A_217], %parallel_loop3A_220 {strides = array<i32>} : memref<256x64xf32, #tpu.memory_space<vmem>>, vector<1x16xf32>,
    } {sc.loop_unroll_factor = 4 : i64, sc.parallel_access}
    %add3A_133 = arith.constant 25088 : i32
    %add3A_134 = arith.addi %mul3A_2, %add3A_133 : i32
    %dma_start3A_135 = arith.constant 0 : i32
    %dma_start3A_136 = tpu.memref_slice %arg4[%add3A_134, %dma_start3A_135] : memref<819200x64xf32, #tpu.memory_space<hbm>> -> memref<256x64xf32, #tpu.memory_space<hbm>>
    %dma_start3A_137 = arith.constant 0 : i32
    %dma_start3A_138 = tpu.memref_slice %arg4[%add3A_134, %dma_start3A_137] : memref<819200x64xf32, #tpu.memory_space<hbm>> -> memref<256x64xf32, #tpu.memory_space<hbm>>
    tpu.enqueue_dma source(%arg8 : memref<256x64xf32, #tpu.memory_space<vmem>>) target(%dma_start3A_138 : memref<256x64xf32, #tpu.memory_space<hbm>>) target_semaphore(%arg12 : memref<!tpu.dma_semaphore, #tpu.memory_space<semaphore_mem>>)
    %dma_wait3A_139 = arith.constant 0 : i32
    %dma_wait3A_140 = arith.constant 0 : i32
    %dma_wait3A_141 = tpu.memref_slice %arg4[%dma_wait3A_139, %dma_wait3A_140] : memref<819200x64xf32, #tpu.memory_space<hbm>> -> memref<256x64xf32, #tpu.memory_space<hbm>>
    %dma_wait3A_142 = arith.constant 0 : i32
    %dma_wait3A_143 = arith.constant 0 : i32
    %dma_wait3A_144 = tpu.memref_slice %arg4[%dma_wait3A_142, %dma_wait3A_143] : memref<819200x64xf32, #tpu.memory_space<hbm>> -> memref<256x64xf32, #tpu.memory_space<hbm>>
    tpu.wait_dma2 semaphore(%arg11 : memref<!tpu.dma_semaphore, #tpu.memory_space<semaphore_mem>>) src(%dma_wait3A_144 : memref<256x64xf32, #tpu.memory_space<hbm>>) dst(%arg7 : memref<256x64xf32, #tpu.memory_space<vmem>>)
    %dma_wait3A_145 = arith.constant 0 : i32
    %dma_wait3A_146 = arith.constant 0 : i32
    %dma_wait3A_147 = tpu.memref_slice %arg4[%dma_wait3A_145, %dma_wait3A_146] : memref<819200x64xf32, #tpu.memory_space<hbm>> -> memref<256x64xf32, #tpu.memory_space<hbm>>
    %dma_wait3A_148 = arith.constant 0 : i32
    %dma_wait3A_149 = arith.constant 0 : i32
    %dma_wait3A_150 = tpu.memref_slice %arg4[%dma_wait3A_148, %dma_wait3A_149] : memref<819200x64xf32, #tpu.memory_space<hbm>> -> memref<256x64xf32, #tpu.memory_space<hbm>>
    tpu.wait_dma2 semaphore(%arg13 : memref<!tpu.dma_semaphore, #tpu.memory_space<semaphore_mem>>) src(%arg9 : memref<256x64xf32, #tpu.memory_space<vmem>>) dst(%dma_wait3A_150 : memref<256x64xf32, #tpu.memory_space<hbm>>)
    %parallel_loop3A_151 = arith.constant 0 : i32
    %parallel_loop3A_152 = arith.constant 256 : i32
    %parallel_loop3A_153 = arith.constant 1 : i32
    scf.for %parallel_loop3A_172 = %parallel_loop3A_151 to %parallel_loop3A_152 step %parallel_loop3A_153  : i32 {
      %parallel_loop3A_173 = arith.index_cast %parallel_loop3A_172 : i32 to index
      %parallel_loop3A_174 = arith.constant 0 : index
      %parallel_loop3A_175 = tpu.vector_load %arg7[%parallel_loop3A_173, %parallel_loop3A_174] {strides = array<i32>} : memref<256x64xf32, #tpu.memory_space<vmem>>, vector<1x16xf32>,
      %parallel_loop3A_176 = vector.shape_cast %parallel_loop3A_175 : vector<1x16xf32> to vector<16xf32>
      %parallel_loop3A_177 = arith.constant 8.000000e+00 : f32
      %parallel_loop3A_178 = vector.broadcast %parallel_loop3A_177 : f32 to vector<16xf32>
      %parallel_loop3A_179 = arith.mulf %parallel_loop3A_176, %parallel_loop3A_178 : vector<16xf32>
      %parallel_loop3A_180 = arith.index_cast %parallel_loop3A_172 : i32 to index
      %parallel_loop3A_181 = arith.constant 0 : index
      %parallel_loop3A_182 = tpu.vector_load %arg9[%parallel_loop3A_180, %parallel_loop3A_181] {strides = array<i32>} : memref<256x64xf32, #tpu.memory_space<vmem>>, vector<1x16xf32>,
      %parallel_loop3A_183 = vector.shape_cast %parallel_loop3A_182 : vector<1x16xf32> to vector<16xf32>
      %parallel_loop3A_184 = vector.shape_cast %parallel_loop3A_179 : vector<16xf32> to vector<1x16xf32>
      tpu.vector_store %arg9[%parallel_loop3A_180, %parallel_loop3A_181], %parallel_loop3A_184 {strides = array<i32>} : memref<256x64xf32, #tpu.memory_space<vmem>>, vector<1x16xf32>,
      %parallel_loop3A_185 = arith.index_cast %parallel_loop3A_172 : i32 to index
      %parallel_loop3A_186 = arith.constant 16 : index
      %parallel_loop3A_187 = tpu.vector_load %arg7[%parallel_loop3A_185, %parallel_loop3A_186] {strides = array<i32>} : memref<256x64xf32, #tpu.memory_space<vmem>>, vector<1x16xf32>,
      %parallel_loop3A_188 = vector.shape_cast %parallel_loop3A_187 : vector<1x16xf32> to vector<16xf32>
      %parallel_loop3A_189 = arith.constant 8.000000e+00 : f32
      %parallel_loop3A_190 = vector.broadcast %parallel_loop3A_189 : f32 to vector<16xf32>
      %parallel_loop3A_191 = arith.mulf %parallel_loop3A_188, %parallel_loop3A_190 : vector<16xf32>
      %parallel_loop3A_192 = arith.index_cast %parallel_loop3A_172 : i32 to index
      %parallel_loop3A_193 = arith.constant 16 : index
      %parallel_loop3A_194 = tpu.vector_load %arg9[%parallel_loop3A_192, %parallel_loop3A_193] {strides = array<i32>} : memref<256x64xf32, #tpu.memory_space<vmem>>, vector<1x16xf32>,
      %parallel_loop3A_195 = vector.shape_cast %parallel_loop3A_194 : vector<1x16xf32> to vector<16xf32>
      %parallel_loop3A_196 = vector.shape_cast %parallel_loop3A_191 : vector<16xf32> to vector<1x16xf32>
      tpu.vector_store %arg9[%parallel_loop3A_192, %parallel_loop3A_193], %parallel_loop3A_196 {strides = array<i32>} : memref<256x64xf32, #tpu.memory_space<vmem>>, vector<1x16xf32>,
      %parallel_loop3A_197 = arith.index_cast %parallel_loop3A_172 : i32 to index
      %parallel_loop3A_198 = arith.constant 32 : index
      %parallel_loop3A_199 = tpu.vector_load %arg7[%parallel_loop3A_197, %parallel_loop3A_198] {strides = array<i32>} : memref<256x64xf32, #tpu.memory_space<vmem>>, vector<1x16xf32>,
      %parallel_loop3A_200 = vector.shape_cast %parallel_loop3A_199 : vector<1x16xf32> to vector<16xf32>
      %parallel_loop3A_201 = arith.constant 8.000000e+00 : f32
      %parallel_loop3A_202 = vector.broadcast %parallel_loop3A_201 : f32 to vector<16xf32>
      %parallel_loop3A_203 = arith.mulf %parallel_loop3A_200, %parallel_loop3A_202 : vector<16xf32>
      %parallel_loop3A_204 = arith.index_cast %parallel_loop3A_172 : i32 to index
      %parallel_loop3A_205 = arith.constant 32 : index
      %parallel_loop3A_206 = tpu.vector_load %arg9[%parallel_loop3A_204, %parallel_loop3A_205] {strides = array<i32>} : memref<256x64xf32, #tpu.memory_space<vmem>>, vector<1x16xf32>,
      %parallel_loop3A_207 = vector.shape_cast %parallel_loop3A_206 : vector<1x16xf32> to vector<16xf32>
      %parallel_loop3A_208 = vector.shape_cast %parallel_loop3A_203 : vector<16xf32> to vector<1x16xf32>
      tpu.vector_store %arg9[%parallel_loop3A_204, %parallel_loop3A_205], %parallel_loop3A_208 {strides = array<i32>} : memref<256x64xf32, #tpu.memory_space<vmem>>, vector<1x16xf32>,
      %parallel_loop3A_209 = arith.index_cast %parallel_loop3A_172 : i32 to index
      %parallel_loop3A_210 = arith.constant 48 : index
      %parallel_loop3A_211 = tpu.vector_load %arg7[%parallel_loop3A_209, %parallel_loop3A_210] {strides = array<i32>} : memref<256x64xf32, #tpu.memory_space<vmem>>, vector<1x16xf32>,
      %parallel_loop3A_212 = vector.shape_cast %parallel_loop3A_211 : vector<1x16xf32> to vector<16xf32>
      %parallel_loop3A_213 = arith.constant 8.000000e+00 : f32
      %parallel_loop3A_214 = vector.broadcast %parallel_loop3A_213 : f32 to vector<16xf32>
      %parallel_loop3A_215 = arith.mulf %parallel_loop3A_212, %parallel_loop3A_214 : vector<16xf32>
      %parallel_loop3A_216 = arith.index_cast %parallel_loop3A_172 : i32 to index
      %parallel_loop3A_217 = arith.constant 48 : index
      %parallel_loop3A_218 = tpu.vector_load %arg9[%parallel_loop3A_216, %parallel_loop3A_217] {strides = array<i32>} : memref<256x64xf32, #tpu.memory_space<vmem>>, vector<1x16xf32>,
      %parallel_loop3A_219 = vector.shape_cast %parallel_loop3A_218 : vector<1x16xf32> to vector<16xf32>
      %parallel_loop3A_220 = vector.shape_cast %parallel_loop3A_215 : vector<16xf32> to vector<1x16xf32>
      tpu.vector_store %arg9[%parallel_loop3A_216, %parallel_loop3A_217], %parallel_loop3A_220 {strides = array<i32>} : memref<256x64xf32, #tpu.memory_space<vmem>>, vector<1x16xf32>,
    } {sc.loop_unroll_factor = 4 : i64, sc.parallel_access}
    %add3A_154 = arith.constant 25344 : i32
    %add3A_155 = arith.addi %mul3A_2, %add3A_154 : i32
    %dma_start3A_156 = arith.constant 0 : i32
    %dma_start3A_157 = tpu.memref_slice %arg4[%add3A_155, %dma_start3A_156] : memref<819200x64xf32, #tpu.memory_space<hbm>> -> memref<256x64xf32, #tpu.memory_space<hbm>>
    %dma_start3A_158 = arith.constant 0 : i32
    %dma_start3A_159 = tpu.memref_slice %arg4[%add3A_155, %dma_start3A_158] : memref<819200x64xf32, #tpu.memory_space<hbm>> -> memref<256x64xf32, #tpu.memory_space<hbm>>
    tpu.enqueue_dma source(%arg9 : memref<256x64xf32, #tpu.memory_space<vmem>>) target(%dma_start3A_159 : memref<256x64xf32, #tpu.memory_space<hbm>>) target_semaphore(%arg13 : memref<!tpu.dma_semaphore, #tpu.memory_space<semaphore_mem>>)
    %dma_wait3A_160 = arith.constant 0 : i32
    %dma_wait3A_161 = arith.constant 0 : i32
    %dma_wait3A_162 = tpu.memref_slice %arg4[%dma_wait3A_160, %dma_wait3A_161] : memref<819200x64xf32, #tpu.memory_space<hbm>> -> memref<256x64xf32, #tpu.memory_space<hbm>>
    %dma_wait3A_163 = arith.constant 0 : i32
    %dma_wait3A_164 = arith.constant 0 : i32
    %dma_wait3A_165 = tpu.memref_slice %arg4[%dma_wait3A_163, %dma_wait3A_164] : memref<819200x64xf32, #tpu.memory_space<hbm>> -> memref<256x64xf32, #tpu.memory_space<hbm>>
    tpu.wait_dma2 semaphore(%arg12 : memref<!tpu.dma_semaphore, #tpu.memory_space<semaphore_mem>>) src(%arg8 : memref<256x64xf32, #tpu.memory_space<vmem>>) dst(%dma_wait3A_165 : memref<256x64xf32, #tpu.memory_space<hbm>>)
    %dma_wait3A_166 = arith.constant 0 : i32
    %dma_wait3A_167 = arith.constant 0 : i32
    %dma_wait3A_168 = tpu.memref_slice %arg4[%dma_wait3A_166, %dma_wait3A_167] : memref<819200x64xf32, #tpu.memory_space<hbm>> -> memref<256x64xf32, #tpu.memory_space<hbm>>
    %dma_wait3A_169 = arith.constant 0 : i32
    %dma_wait3A_170 = arith.constant 0 : i32
    %dma_wait3A_171 = tpu.memref_slice %arg4[%dma_wait3A_169, %dma_wait3A_170] : memref<819200x64xf32, #tpu.memory_space<hbm>> -> memref<256x64xf32, #tpu.memory_space<hbm>>
    tpu.wait_dma2 semaphore(%arg13 : memref<!tpu.dma_semaphore, #tpu.memory_space<semaphore_mem>>) src(%arg9 : memref<256x64xf32, #tpu.memory_space<vmem>>) dst(%dma_wait3A_171 : memref<256x64xf32, #tpu.memory_space<hbm>>)
    return
  }
}

</mosaic_0001>

<sc_bundles>
// kernel: kernel.3.cloned.1.call-start
scs
__scs_entry_jumppad:
0x0: {  	(pc) =	sbr.rel $0x88, $3  }
0x1: {  	(tag) =	ssettag $0x0;
	lr =	simm.s32 $0x1  }
0x2: {  	[smem:$0x3F9F] =	sst lr;
	_ =	strace $0xD0000000  }
0x3: {  	_ = 	snop  }
0x4: {  	_ = 	snop  }
0x5: {  	_ = 	snop  }
0x6: {  	_ = 	snop  }
0x7: {  	_ = 	snop  }
__scs_overlays_trampoline_lowered:
0x8: {  	[smem:$0x3FAE] =	sst s0  }
0x9: {  	[smem:$0x3FAF] =	sst s1  }
0xa: {  	[smem:$0x3FB0] =	sst s2  }
0xb: {  	[smem:$0x3FB1] =	sst s3  }
0xc: {  	[smem:$0x3FB2] =	sst s4  }
0xd: {  	[smem:$0x3FB3] =	sst s5  }
0xe: {  	[smem:$0x3FB4] =	sst s6  }
0xf: {  	[smem:$0x3FB5] =	sst s7  }
0x10: {  	[smem:$0x3FB6] =	sst s8  }
0x11: {  	[smem:$0x3FB7] =	sst s9;
	s0 =	simm.s32 @!p0 $0x0  }
0x12: {  	s1 =	sld [smem:$0x3F9D];
	s0 =	simm.s32 @p0 $0x1  }
0x13: {  	[smem:$0x3FB8] =	sst s0;
	s0 =	simm.s32 @!p1 $0x0  }
0x14: {  	s2 =	sld [smem:$0x3F9C];
	s0 =	simm.s32 @p1 $0x1  }
0x15: {  	[smem:$0x3FB9] =	sst s0;
	s0 =	simm.s32 @!p2 $0x0  }
0x16: {  	s3 =	sld [smem:$0x3FDB];
	s0 =	simm.s32 @p2 $0x1  }
0x17: {  	s4 =	simm.s32 $0x1BF5;
	[smem:$0x3FBB] =	sst s0  }
0x18: {  	s0 =	sld [smem:$0x3F9E];
	_ =	swait.ge [sflag:s4], $0x0  }
0x19: {  	s7 =	sld [smem:$0x3F9F]  }
0x1a: {  	s8 =	sadd.s32 $0xFFFFE003, lr  }
0x1b: {  	s9 =	sadd.s32 $0xFFFFFEF7, lr;
	s5 =	simm.s32 $0xFFFFFFFF;
	p2 =	slt.u32 s8, $0xFFFFF086  }
0x1c: {  	p1 =	slt.u32 s9, $0xF7A;
	s5 =	simm.s32 @!p2 $0x0  }
0x1d: {  	s5 =	simm.s32 @p1 $0x1;
	p0 =	seq.s32 s7, s2  }
0x1e: {  	s7 =	smul.u32 @!p0 $0xF7A, s2;
	p2 =	seq.s32 @!p0 s5, $0x0  }
0x1f: {  	s9 =	smul.u32 $0xF7A, s1;
	s8 =	simm.s32 @!p0 $0x1BF5;
	p2 =	por !p2, p0  }
0x20: {  	[sflag:s8] =	ssyncset.s32 @!p0 $0xFFFFF086;
	s6 =	sadd.s32 @!p0 s3, s7;
	s7 =	simm.s32 @!p0 $0x108  }
0x21: {  	s3 =	sadd.s32 s3, s9;
	s6 =	sadd.s32 @!p0 $0x88, s6;
	s7 =	simm.s32 @p2 $0x1082  }
0x22: {  	[simem:s7], [sflag:s8] =	dma.local @!p0 [hbm:s6], $0xF7A  }
0x23: {  	s9 =	sor.u32 $0xD0000000, s2;
	s6 =	simm.s32 $0x108;
	_ =	swait.ge @!p0 [sflag:s8], $0x0  }
0x24: {  	s3 =	sadd.s32 $0x88, s3;
	s6 =	simm.s32 @!p1 $0x1082;
	[sflag:s4] =	ssyncset.s32 $0xFFFFF086  }
0x25: {  	[simem:s6], [sflag:s4] =	dma.local [hbm:s3], $0xF7A  }
0x26: {  	[smem:$0x3F9F] =	sst s1;
	(tag) =	ssettag s2;
	_ =	strace s9  }
0x27: {  	s1 =	sld [smem:$0x3FAF]  }
0x28: {  	s2 =	sld [smem:$0x3FB0]  }
0x29: {  	s4 =	sld [smem:$0x3FB2]  }
0x2a: {  	p0 =	seq.s32 s5, $0x0;
	s5 =	sld [smem:$0x3FB3]  }
0x2b: {  	s6 =	sld [smem:$0x3FB4]  }
0x2c: {  	s7 =	sld [smem:$0x3FB5]  }
0x2d: {  	s3 =	simm.s32 $0x108;
	s8 =	sld [smem:$0x3FB6]  }
0x2e: {  	s3 =	simm.s32 @!p0 $0x1082;
	s9 =	sld [smem:$0x3FB7]  }
0x2f: {  	lr =	sadd.s32 s0, s3;
	s0 =	sld [smem:$0x3FAE]  }
0x30: {  	s3 =	sld [smem:$0x3FB1]  }
0x31: {  	[smem:$0x3FBA] =	sst s10  }
0x32: {  	s10 =	sld [smem:$0x3FB8];
	_ =	sdelay $0x3  }
0x33: {  	p0 =	seq.s32 s10, $0x1;
	s10 =	sld [smem:$0x3FBA];
	_ =	sdelay $0x3  }
0x34: {  	[smem:$0x3FBA] =	sst s10  }
0x35: {  	s10 =	sld [smem:$0x3FB9];
	_ =	sdelay $0x3  }
0x36: {  	p1 =	seq.s32 s10, $0x1;
	s10 =	sld [smem:$0x3FBA];
	_ =	sdelay $0x3  }
0x37: {  	[smem:$0x3FBA] =	sst s10  }
0x38: {  	s10 =	sld [smem:$0x3FBB]  }
0x39: {  	_ = 	snop;
	(pc) =	sbr.ind lr, $3  }
0x3a: {  	_ = 	snop  }
0x3b: {  	_ = 	snop  }
0x3c: {  	p2 =	seq.s32 s10, $0x1;
	s10 =	sld [smem:$0x3FBA]  }
0x3d: {  	_ =	shalt  }
0x3e: {  	_ =	shalt  }
0x3f: {  	_ =	shalt  }
0x40: {  	_ =	shalt  }
0x41: {  	_ =	shalt  }
0x42: {  	_ =	shalt  }
0x43: {  	_ =	shalt  }
0x44: {  	_ =	shalt  }
0x45: {  	_ =	shalt  }
0x46: {  	_ =	shalt  }
0x47: {  	_ =	shalt  }
0x48: {  	_ =	shalt  }
0x49: {  	_ =	shalt  }
0x4a: {  	_ =	shalt  }
0x4b: {  	_ =	shalt  }
0x4c: {  	_ =	shalt  }
0x4d: {  	_ =	shalt  }
0x4e: {  	_ =	shalt  }
0x4f: {  	_ =	shalt  }
0x50: {  	_ =	shalt  }
0x51: {  	_ =	shalt  }
0x52: {  	_ =	shalt  }
0x53: {  	_ =	shalt  }
0x54: {  	_ =	shalt  }
0x55: {  	_ =	shalt  }
0x56: {  	_ =	shalt  }
0x57: {  	_ =	shalt  }
0x58: {  	_ =	shalt  }
0x59: {  	_ =	shalt  }
0x5a: {  	_ =	shalt  }
0x5b: {  	_ =	shalt  }
0x5c: {  	_ =	shalt  }
0x5d: {  	_ =	shalt  }
0x5e: {  	_ =	shalt  }
0x5f: {  	_ =	shalt  }
0x60: {  	_ =	shalt  }
0x61: {  	_ =	shalt  }
0x62: {  	_ =	shalt  }
0x63: {  	_ =	shalt  }
0x64: {  	_ =	shalt  }
0x65: {  	_ =	shalt  }
0x66: {  	_ =	shalt  }
0x67: {  	_ =	shalt  }
0x68: {  	_ =	shalt  }
0x69: {  	_ =	shalt  }
0x6a: {  	_ =	shalt  }
0x6b: {  	_ =	shalt  }
0x6c: {  	_ =	shalt  }
0x6d: {  	_ =	shalt  }
0x6e: {  	_ =	shalt  }
0x6f: {  	_ =	shalt  }
0x70: {  	_ =	shalt  }
0x71: {  	_ =	shalt  }
0x72: {  	_ =	shalt  }
0x73: {  	_ =	shalt  }
0x74: {  	_ =	shalt  }
0x75: {  	_ =	shalt  }
0x76: {  	_ =	shalt  }
0x77: {  	_ =	shalt  }
0x78: {  	_ =	shalt  }
0x79: {  	_ =	shalt  }
0x7a: {  	_ =	shalt  }
0x7b: {  	_ =	shalt  }
0x7c: {  	_ =	shalt  }
0x7d: {  	_ =	shalt  }
0x7e: {  	_ =	shalt  }
0x7f: {  	_ =	shalt  }
0x80: {  	_ =	shalt  }
0x81: {  	_ =	shalt  }
0x82: {  	_ =	shalt  }
0x83: {  	_ =	shalt  }
0x84: {  	_ =	shalt  }
0x85: {  	_ =	shalt  }
0x86: {  	_ =	shalt  }
0x87: {  	_ =	shalt  }
.Lfunc_end0:
.L_simem_size_0:
called_computation.1_lowered:
.L_overlay_start_0:
0x88: {  	s2 =	sld [smem:$0x3FD9]  }
0x89: {  	s3 =	sld [smem:$0x3FFE];
	_ =	sdelay $0x1  }
0x8a: {  	s1 =	srdreg.scid  }
0x8b: {  	s0 =	sand.u32 $0x1, s1  }
0x8c: {  	s17 =	sshll.u32 s0, $0xA;
	s2 =	sadd.s32 s3, s2  }
0x8d: {  	s2 =	sadd.s32 s2, s17  }
0x8e: {  	[smem:$0x3FC6] =	sst s2  }
0x8f: {  	_ = 	snop  }
0x90: {  	s2 =	sld [smem:$0x3FD0];
	(tm) =	ssettm $0x1  }
0x91: {  	s18 =	sld [smem:$0x3FFB];
	_ =	sdelay $0x3  }
0x92: {  	_ =	strace s18  }
0x93: {  	s3 =	sld [smem:$0x3FFC];
	_ =	sdelay $0x3  }
0x94: {  	_ =	strace s3  }
0x95: {  	s3 =	sld [smem:$0x3FFD];
	_ =	sdelay $0x3  }
0x96: {  	_ =	strace s3  }
0x97: {  	_ =	strace $0x8FFFFFFF  }
0x98: {  	s19 =	sld [smem:$0x3FDB];
	_ =	sdelay $0x1  }
0x99: {  	s4 =	simm.s32 $_scs_section_size  }
0x9a: {  	s5 =	simm.s32 $_size__tile_overlayer_lowered;
	s6 =	simm.s32 $_tile_overlayer_lowered  }
0x9b: {  	s22 =	simm.s32 $0x1BFF;
	s21 =	sshll.u32 s6, $0x1;
	s3 =	sadd.s32 s4, s19  }
0x9c: {  	s7 =	simm.s32 $0x0;
	s20 =	sshll.u32 s5, $0x1;
	s5 =	sadd.s32 s21, s3  }
0x9d: {  	[timem:s7], [sflag:s22] =	dma.local [hbm:s5], s20  }
0x9e: {  	_ =	swait.ge [sflag:s22], s20  }
0x9f: {  	s4 =	ssub.s32 $0x0, s20;
	[sflag:s22] =	ssyncset.done $0x0  }
0xa0: {  	[sflag:s22] =	ssyncadd.s32 s4;
	_ =	sdelay $0x1  }
0xa1: {  	s23 =	simm.s32 $0x1B8B  }
0xa2: {  	_ =	swait.ge [sflag:s23], $0x1  }
0xa3: {  	[sflag:s23] =	ssyncset.done $0x0  }
0xa4: {  	s25 =	simm.s32 $0x1B8E;
	s24 =	sld [smem:$0x3FFE];
	[sflag:s23] =	ssyncadd.s32 $0xFFFFFFFF  }
0xa5: {  	s26 =	simm.s32 $execute0_lowered;
	[smem:$0x3FD2] =	sst s25  }
0xa6: {  	s5 =	sshll.u32 s26, $0x1;
	_ =	strace $0x80000046;
	[dreg:$0x1] =	wrdreg $0xFFFFFFFF  }
0xa7: {  	s28 =	simm.s32 $_size_execute0_lowered;
	s3 =	sadd.s32 s3, s5;
	[dreg:$0x0] =	wrdreg $0x0  }
0xa8: {  	s5 =	sshll.u32 s28, $0x1;
	[dreg:$0x2] =	wrdreg s3  }
0xa9: {  	[dreg:$0x3] =	wrdreg s5  }
0xaa: {  	[dreg:$0x4] =	wrdreg $0xC0  }
0xab: {  	_ =	task [dreg:s7], $0x5FFFF  }
0xac: {  	[dreg:$0x1] =	wrdreg $0xFFFFFFFF  }
0xad: {  	[dreg:$0x0] =	wrdreg $0x60  }
0xae: {  	[dreg:$0x2] =	wrdreg s24  }
0xaf: {  	[dreg:$0x3] =	wrdreg s2  }
0xb0: {  	[dreg:$0x4] =	wrdreg $0x9  }
0xb1: {  	_ =	task.clear_ibuf [dreg:s7], $0x5FFFF;
	_ =	strace $0x90000046  }
0xb2: {  	s29 =	simm.s32 $0x9;
	_ =	strace $0x80000048  }
0xb3: {  	_ =	swait.ge [sflag:s29], $0x1  }
0xb4: {  	[sflag:s29] =	ssyncadd.s32 $0xFFFFFFFF  }
0xb5: {  	_ =	strace $0x90000048  }
0xb6: {  	_ =	sfence  }
0xb7: {  	s30 =	sld [smem:$0x0];
	_ =	sdelay $0x2  }
0xb8: {  	s31 =	sshll.u32 s1, $0xD;
	s1 =	sshrl.u32 s1, $0x2  }
0xb9: {  	s3 =	sand.u32 $0x4000, s31;
	s1 =	sadd.s32 s1, s30  }
0xba: {  	s0 =	sor.u32 s3, s0;
	s1 =	sshll.u32 s1, $0x11  }
0xbb: {  	s0 =	sor.u32 s1, s0  }
0xbc: {  	s0 =	sadd.s32 $0x8F2B, s0  }
0xbd: {  	[sflag:s0] =	ssyncadd.remote.s32 $0x1  }
0xbe: {  	_ =	sfence.sel $0xFFFF  }
0xbf: {  	[dreg:$0x0] =	wrdreg $0xFFFFFFFF;
	(pc) =	sbr.abs _section_cstart, $3  }
0xc0: {  	[dreg:$0x1] =	wrdreg $0xFFFFFFFF  }
0xc1: {  	_ =	task.clear_ibuf [dreg:s7], $0x2FFFF;
	_ =	strace $0x9FFFFFFF  }
0xc2: {  	(tm) =	ssettm $0x7FFFFFFF  }
0xc3: {  	_ =	shalt  }
tec
execute0_lowered:
.L_overlay_start_1:
0x0: {  	(tag) =	ssettag $0x1  }
0x1: {  	s0 =	rddreg [dreg:$0x0];
	s1 =	srdreg.scid  }
0x2: {  	s3 =	stileid.u32;
	s2 =	rddreg [dreg:$0x1]  }
0x3: {  	s12 =	simm.s32 $0x5;
	s13 =	simm.s32 $0x80;
	s14 =	simm.s32 $0x6400  }
0x4: {  	s15 =	simm.s32 $0x8400;
	s17 =	simm.s32 $0xA400;
	s19 =	simm.s32 $0xC400  }
0x5: {  	s20 =	simm.s32 $0x1;
	s23 =	simm.s32 $0xE400;
	s28 =	simm.s32 $0x12400  }
0x6: {  	s29 =	simm.s32 $0x3;
	s1 =	sand.u32 $0x1, s1;
	s4 =	sshll.u32 s3, $0x1  }
0x7: {  	s30 =	simm.s32 $0x4;
	s3 =	simm.s32 $0x0;
	s5 =	sor.u32 s1, s4  }
0x8: {  	s31 =	simm.s32 $0x0;
	[smem:$0x7FF] =	sst s3;
	s6 =	smul.u32 $0xC80, s5  }
0x9: {  	s1 =	ssub.s32 $0x2, s1;
	_ =	strace $0x80000047;
	s4 =	smul.u32 $0x190000, s5  }
0xa: {  	s24 =	smul.u32 $0x32000, s5;
	s5 =	sadd.s32 $0xF42E00, s0;
	s25 =	sshrl.u32 s1, $0x1  }
0xb: {  	s7 =	sadd.s32 s6, s0;
	s8 =	sshrl.u32 s4, $0x3;
	s0 =	ssub.s32 s1, s25  }
0xc: {  	s6 =	sadd.s32 s2, s24;
	s24 =	simm.s32 $0x2;
	s26 =	sadd.s32 s2, s8  }
0xd: {  	s7 =	sadd.s32 $0xA00, s7;
	s8 =	sadd.s32 $0x800, s6;
	s11 =	smax.u32 s0, $0x1  }
0xe: {  	s9 =	sadd.s32 $0x31000, s26;
	s10 =	sadd.s32 $0x31800, s26;
	s26 =	simm.s32 $0xA480  }
.LBB2_1:
0xf: {  	[tilespmem:s3], [sflag:$0x5] =	stream.linear.gather [hbm4b:s7+s3], $0x6400, $0x38;
	[tilespmem:$0x16400] =	vst v63  }
0x10: {  	_ =	swait.ge [sflag:s12], $0x6400  }
0x11: {  	[sflag:s12] =	ssyncset.done $0x0  }
0x12: {  	[sflag:s12] =	ssyncadd.s32 $0xFFFF9C00  }
0x13: {  	[tilespmem:s14], [sflag:$0x1] =	stream.indirect.gather [hbm4b:s5+s13], $0x40, s3, s13, $0xb8;
	[tilespmem:$0x16400] =	vst v63  }
0x14: {  	_ = 	snop  }
0x15: {  	[tilespmem:s15], [sflag:$0x1] =	stream.indirect.gather [hbm4b:s5+s13], $0x40, s13, s13, $0xb8;
	[tilespmem:$0x16400] =	vst v63  }
0x16: {  	s0 =	simm.s32 $0x100  }
0x17: {  	[tilespmem:s17], [sflag:$0x2] =	stream.indirect.gather [hbm4b:s5+s13], $0x40, s0, s13, $0xb8;
	[tilespmem:$0x16400] =	vst v63  }
0x18: {  	s25 =	simm.s32 $0x180  }
0x19: {  	[tilespmem:s19], [sflag:$0x2] =	stream.indirect.gather [hbm4b:s5+s13], $0x40, s25, s13, $0xb8;
	[tilespmem:$0x16400] =	vst v63  }
0x1a: {  	_ =	swait.ge [sflag:s20], $0x4000  }
0x1b: {  	[sflag:s20] =	ssyncset.done $0x0  }
0x1c: {  	s22 =	simm.s32 $0x6480;
	[sflag:s20] =	ssyncadd.s32 $0xFFFFC000  }
0x1d: {  	v0 =	vld [tilespmem:s22+$0x40];
	_ =	sdelay $0x3  }
0x1e: {  	v1 =	vld [tilespmem:s22+$0xFFFFFF80]  }
0x1f: {  	v2 =	vld [tilespmem:s22+$0xFFFFFFC0];
	v0 =	vmul.f32 $8.000000000e+00, v0  }
0x20: {  	s0 =	simm.s32 $0xE480;
	v3 =	vld [tilespmem:s22+$0x0]  }
0x21: {  	[tilespmem:s0+$0x40] =	vst v0  }
0x22: {  	v0 =	vld [tilespmem:s22+$0x50]  }
0x23: {  	v1 =	vmul.f32 $8.000000000e+00, v1  }
0x24: {  	v2 =	vmul.f32 $8.000000000e+00, v2  }
0x25: {  	v3 =	vmul.f32 $8.000000000e+00, v3;
	[tilespmem:s0+$0xFFFFFF80] =	vst v1  }
0x26: {  	[tilespmem:s0+$0xFFFFFFC0] =	vst v2;
	v1 =	vld [tilespmem:s22+$0xFFFFFF90]  }
0x27: {  	[tilespmem:s0+$0x0] =	vst v3;
	v2 =	vld [tilespmem:s22+$0xFFFFFFD0];
	v0 =	vmul.f32 $8.000000000e+00, v0  }
0x28: {  	s1 =	simm.s32 $0x6580;
	v3 =	vld [tilespmem:s22+$0x10]  }
0x29: {  	[tilespmem:s0+$0x50] =	vst v0;
	v0 =	vld [tilespmem:s1+$0x40]  }
0x2a: {  	v4 =	vld [tilespmem:s22+$0x60]  }
0x2b: {  	v5 =	vld [tilespmem:s1+$0xFFFFFFC0];
	v1 =	vmul.f32 $8.000000000e+00, v1  }
0x2c: {  	v6 =	vld [tilespmem:s1+$0x0];
	v2 =	vmul.f32 $8.000000000e+00, v2  }
0x2d: {  	v3 =	vmul.f32 $8.000000000e+00, v3;
	[tilespmem:s0+$0xFFFFFF90] =	vst v1;
	v1 =	vld [tilespmem:s1+$0xFFFFFF80]  }
0x2e: {  	[tilespmem:s0+$0xFFFFFFD0] =	vst v2;
	v2 =	vld [tilespmem:s22+$0xFFFFFFA0];
	v0 =	vmul.f32 $8.000000000e+00, v0  }
0x2f: {  	s16 =	simm.s32 $0xE580;
	[tilespmem:s0+$0x10] =	vst v3;
	v7 =	vld [tilespmem:s22+$0xFFFFFFE0];
	v3 =	vmul.f32 $8.000000000e+00, v4  }
0x30: {  	v4 =	vmul.f32 $8.000000000e+00, v5;
	[tilespmem:s16+$0x40] =	vst v0;
	v0 =	vld [tilespmem:s22+$0x20]  }
0x31: {  	v5 =	vmul.f32 $8.000000000e+00, v6;
	v6 =	vld [tilespmem:s1+$0x50];
	[tilespmem:s0+$0x60] =	vst v3  }
0x32: {  	v1 =	vmul.f32 $8.000000000e+00, v1;
	[tilespmem:s16+$0xFFFFFFC0] =	vst v4;
	v8 =	vld [tilespmem:s22+$0x70]  }
0x33: {  	v2 =	vmul.f32 $8.000000000e+00, v2;
	[tilespmem:s16+$0x0] =	vst v5;
	v9 =	vld [tilespmem:s1+$0xFFFFFFD0]  }
0x34: {  	[tilespmem:s16+$0xFFFFFF80] =	vst v1;
	v5 =	vmul.f32 $8.000000000e+00, v7;
	v3 =	vld [tilespmem:s1+$0x10]  }
0x35: {  	v4 =	vld [tilespmem:s1+$0xFFFFFF90];
	[tilespmem:s0+$0xFFFFFFA0] =	vst v2;
	v2 =	vmul.f32 $8.000000000e+00, v0  }
0x36: {  	v1 =	vld [tilespmem:s22+$0xFFFFFFB0];
	[tilespmem:s0+$0xFFFFFFE0] =	vst v5;
	v7 =	vmul.f32 $8.000000000e+00, v6  }
0x37: {  	v0 =	vld [tilespmem:s22+$0xFFFFFFF0];
	[tilespmem:s0+$0x20] =	vst v2;
	v5 =	vmul.f32 $8.000000000e+00, v8  }
0x38: {  	s18 =	simm.s32 $0x4;
	s21 =	simm.s32 $0x6680;
	v6 =	vmul.f32 $8.000000000e+00, v9;
	[tilespmem:s16+$0x50] =	vst v7;
	v2 =	vld [tilespmem:s22+$0x30]  }
.LBB2_2:
0x39: {  	v7 =	vld [tilespmem:s21+$0x40];
	v3 =	vmul.f32 $8.000000000e+00, v3;
	[tilespmem:s0+$0x70] =	vst v5  }
0x3a: {  	s18 =	sadd.s32 $0x4, s18;
	v4 =	vmul.f32 $8.000000000e+00, v4;
	[tilespmem:s16+$0xFFFFFFD0] =	vst v6;
	v5 =	vld [tilespmem:s1+$0x60]  }
0x3b: {  	p0 =	slt.u32 s18, $0xFC;
	v6 =	vld [tilespmem:s21+$0xFFFFFFC0];
	[tilespmem:s16+$0x10] =	vst v3;
	v1 =	vmul.f32 $8.000000000e+00, v1  }
0x3c: {  	v3 =	vld [tilespmem:s21+$0x0];
	[tilespmem:s16+$0xFFFFFF90] =	vst v4;
	v0 =	vmul.f32 $8.000000000e+00, v0  }
0x3d: {  	v4 =	vld [tilespmem:s21+$0xFFFFFF80];
	[tilespmem:s0+$0xFFFFFFB0] =	vst v1;
	v1 =	vmul.f32 $8.000000000e+00, v2  }
0x3e: {  	v2 =	vmul.f32 $8.000000000e+00, v7;
	v7 =	vld [tilespmem:s1+$0xFFFFFFA0];
	[tilespmem:s0+$0xFFFFFFF0] =	vst v0  }
0x3f: {  	v0 =	vld [tilespmem:s1+$0xFFFFFFE0];
	v5 =	vmul.f32 $8.000000000e+00, v5;
	[tilespmem:s0+$0x30] =	vst v1;
	s0 =	smov.u32 s16;
	s16 =	sadd.s32 $0x100, s16  }
0x40: {  	v1 =	vmul.f32 $8.000000000e+00, v6;
	[tilespmem:s16+$0x40] =	vst v2;
	v2 =	vld [tilespmem:s1+$0x20]  }
0x41: {  	v3 =	vmul.f32 $8.000000000e+00, v3;
	v6 =	vld [tilespmem:s21+$0x50];
	[tilespmem:s0+$0x60] =	vst v5  }
0x42: {  	v4 =	vmul.f32 $8.000000000e+00, v4;
	[tilespmem:s16+$0xFFFFFFC0] =	vst v1;
	v5 =	vld [tilespmem:s1+$0x70]  }
0x43: {  	v8 =	vld [tilespmem:s21+$0xFFFFFFD0];
	[tilespmem:s16+$0x0] =	vst v3;
	v1 =	vmul.f32 $8.000000000e+00, v7  }
.Ltmp0:
0x44: {  	[tilespmem:s16+$0xFFFFFF80] =	vst v4;
	v3 =	vld [tilespmem:s21+$0x10];
	v0 =	vmul.f32 $8.000000000e+00, v0;
	(pc) =	sbr.rel @p0 .LBB2_2-.Ltmp0, $4  }
0x45: {  	v4 =	vld [tilespmem:s21+$0xFFFFFF90];
	[tilespmem:s0+$0xFFFFFFA0] =	vst v1;
	v2 =	vmul.f32 $8.000000000e+00, v2  }
0x46: {  	v7 =	vmul.f32 $8.000000000e+00, v6;
	v1 =	vld [tilespmem:s1+$0xFFFFFFB0];
	[tilespmem:s0+$0xFFFFFFE0] =	vst v0  }
0x47: {  	v0 =	vld [tilespmem:s1+$0xFFFFFFF0];
	[tilespmem:s0+$0x20] =	vst v2;
	v5 =	vmul.f32 $8.000000000e+00, v5  }
0x48: {  	v6 =	vmul.f32 $8.000000000e+00, v8;
	[tilespmem:s16+$0x50] =	vst v7;
	v2 =	vld [tilespmem:s1+$0x30];
	s1 =	smov.u32 s21;
	s21 =	sadd.s32 $0x100, s21  }
0x49: {  	_ = 	snop  }
0x4a: {  	v4 =	vmul.f32 $8.000000000e+00, v4;
	_ =	sdelay $0x1  }
0x4b: {  	v3 =	vmul.f32 $8.000000000e+00, v3;
	v7 =	vld [tilespmem:s1+$0x60];
	[tilespmem:s16+$0xFFFFFF90] =	vst v4  }
0x4c: {  	[tilespmem:s16+$0xFFFFFFD0] =	vst v6;
	v4 =	vld [tilespmem:s1+$0xFFFFFFA0]  }
0x4d: {  	[tilespmem:s16+$0x10] =	vst v3;
	v3 =	vld [tilespmem:s1+$0xFFFFFFE0]  }
0x4e: {  	v6 =	vld [tilespmem:s1+$0x20];
	_ =	sdelay $0x1  }
0x4f: {  	v7 =	vmul.f32 $8.000000000e+00, v7  }
0x50: {  	v4 =	vmul.f32 $8.000000000e+00, v4  }
0x51: {  	[tilespmem:s16+$0x60] =	vst v7;
	v3 =	vmul.f32 $8.000000000e+00, v3  }
0x52: {  	v7 =	vld [tilespmem:s1+$0x70];
	[tilespmem:s16+$0xFFFFFFA0] =	vst v4;
	v4 =	vmul.f32 $8.000000000e+00, v6  }
0x53: {  	[tilespmem:s16+$0xFFFFFFE0] =	vst v3;
	v6 =	vld [tilespmem:s1+$0xFFFFFFB0]  }
0x54: {  	v1 =	vmul.f32 $8.000000000e+00, v1;
	v3 =	vld [tilespmem:s1+$0xFFFFFFF0];
	[tilespmem:s16+$0x20] =	vst v4  }
0x55: {  	[tilespmem:s0+$0x70] =	vst v5;
	v0 =	vmul.f32 $8.000000000e+00, v0;
	v4 =	vld [tilespmem:s1+$0x30]  }
0x56: {  	[tilespmem:s0+$0xFFFFFFB0] =	vst v1;
	v1 =	vmul.f32 $8.000000000e+00, v2  }
0x57: {  	[tilespmem:s0+$0xFFFFFFF0] =	vst v0;
	v0 =	vmul.f32 $8.000000000e+00, v7  }
0x58: {  	[tilespmem:s0+$0x30] =	vst v1;
	v1 =	vmul.f32 $8.000000000e+00, v6  }
0x59: {  	[tilespmem:s16+$0x70] =	vst v0;
	v0 =	vmul.f32 $8.000000000e+00, v3  }
0x5a: {  	[tilespmem:s16+$0xFFFFFFB0] =	vst v1;
	v1 =	vmul.f32 $8.000000000e+00, v4  }
0x5b: {  	[tilespmem:s16+$0xFFFFFFF0] =	vst v0  }
0x5c: {  	s22 =	simm.s32 $0x200;
	[tilespmem:s16+$0x30] =	vst v1  }
0x5d: {  	[tilespmem:s14], [sflag:$0x1] =	stream.indirect.gather [hbm4b:s5+s13], $0x40, s22, s13, $0xb8;
	[tilespmem:$0x16400] =	vst v63  }
0x5e: {  	s25 =	simm.s32 $0x280  }
0x5f: {  	[tilespmem:s15], [sflag:$0x1] =	stream.indirect.gather [hbm4b:s5+s13], $0x40, s25, s13, $0xb8;
	[tilespmem:$0x16400] =	vst v63  }
0x60: {  	_ = 	snop  }
0x61: {  	[hbm4b:s6+s3] =	stream.linear.scatter [tilespmem:s23], [sflag:$0x3], $0x4000, $0x38;
	[tilespmem:$0x16400] =	vst v63  }
0x62: {  	_ =	swait.ge [sflag:s24], $0x4000  }
0x63: {  	[sflag:s24] =	ssyncset.done $0x0  }
0x64: {  	s22 =	simm.s32 $0xA480;
	[sflag:s24] =	ssyncadd.s32 $0xFFFFC000  }
0x65: {  	v0 =	vld [tilespmem:s22+$0x40];
	_ =	sdelay $0x3  }
0x66: {  	v1 =	vld [tilespmem:s22+$0xFFFFFF80]  }
0x67: {  	v2 =	vld [tilespmem:s22+$0xFFFFFFC0];
	v0 =	vmul.f32 $8.000000000e+00, v0  }
0x68: {  	s0 =	simm.s32 $0x12480;
	v3 =	vld [tilespmem:s22+$0x0]  }
0x69: {  	[tilespmem:s0+$0x40] =	vst v0  }
0x6a: {  	v0 =	vld [tilespmem:s22+$0x50]  }
0x6b: {  	v1 =	vmul.f32 $8.000000000e+00, v1  }
0x6c: {  	v2 =	vmul.f32 $8.000000000e+00, v2  }
0x6d: {  	v3 =	vmul.f32 $8.000000000e+00, v3;
	[tilespmem:s0+$0xFFFFFF80] =	vst v1  }
0x6e: {  	[tilespmem:s0+$0xFFFFFFC0] =	vst v2;
	v1 =	vld [tilespmem:s22+$0xFFFFFF90]  }
0x6f: {  	[tilespmem:s0+$0x0] =	vst v3;
	v2 =	vld [tilespmem:s22+$0xFFFFFFD0];
	v0 =	vmul.f32 $8.000000000e+00, v0  }
0x70: {  	s1 =	simm.s32 $0xA580;
	v3 =	vld [tilespmem:s22+$0x10]  }
0x71: {  	[tilespmem:s0+$0x50] =	vst v0;
	v0 =	vld [tilespmem:s1+$0x40]  }
0x72: {  	v4 =	vld [tilespmem:s22+$0x60]  }
0x73: {  	v5 =	vld [tilespmem:s1+$0xFFFFFFC0];
	v1 =	vmul.f32 $8.000000000e+00, v1  }
0x74: {  	v6 =	vld [tilespmem:s1+$0x0];
	v2 =	vmul.f32 $8.000000000e+00, v2  }
0x75: {  	v3 =	vmul.f32 $8.000000000e+00, v3;
	[tilespmem:s0+$0xFFFFFF90] =	vst v1;
	v1 =	vld [tilespmem:s1+$0xFFFFFF80]  }
0x76: {  	[tilespmem:s0+$0xFFFFFFD0] =	vst v2;
	v2 =	vld [tilespmem:s22+$0xFFFFFFA0];
	v0 =	vmul.f32 $8.000000000e+00, v0  }
0x77: {  	s16 =	simm.s32 $0x12580;
	[tilespmem:s0+$0x10] =	vst v3;
	v7 =	vld [tilespmem:s22+$0xFFFFFFE0];
	v3 =	vmul.f32 $8.000000000e+00, v4  }
0x78: {  	v4 =	vmul.f32 $8.000000000e+00, v5;
	[tilespmem:s16+$0x40] =	vst v0;
	v0 =	vld [tilespmem:s22+$0x20]  }
0x79: {  	v5 =	vmul.f32 $8.000000000e+00, v6;
	v6 =	vld [tilespmem:s1+$0x50];
	[tilespmem:s0+$0x60] =	vst v3  }
0x7a: {  	v1 =	vmul.f32 $8.000000000e+00, v1;
	[tilespmem:s16+$0xFFFFFFC0] =	vst v4;
	v8 =	vld [tilespmem:s22+$0x70]  }
0x7b: {  	v2 =	vmul.f32 $8.000000000e+00, v2;
	[tilespmem:s16+$0x0] =	vst v5;
	v9 =	vld [tilespmem:s1+$0xFFFFFFD0]  }
0x7c: {  	[tilespmem:s16+$0xFFFFFF80] =	vst v1;
	v5 =	vmul.f32 $8.000000000e+00, v7;
	v3 =	vld [tilespmem:s1+$0x10]  }
0x7d: {  	v4 =	vld [tilespmem:s1+$0xFFFFFF90];
	[tilespmem:s0+$0xFFFFFFA0] =	vst v2;
	v2 =	vmul.f32 $8.000000000e+00, v0  }
0x7e: {  	v1 =	vld [tilespmem:s22+$0xFFFFFFB0];
	[tilespmem:s0+$0xFFFFFFE0] =	vst v5;
	v7 =	vmul.f32 $8.000000000e+00, v6  }
0x7f: {  	v0 =	vld [tilespmem:s22+$0xFFFFFFF0];
	[tilespmem:s0+$0x20] =	vst v2;
	v5 =	vmul.f32 $8.000000000e+00, v8  }
0x80: {  	s18 =	simm.s32 $0x4;
	s21 =	simm.s32 $0xA680;
	v6 =	vmul.f32 $8.000000000e+00, v9;
	[tilespmem:s16+$0x50] =	vst v7;
	v2 =	vld [tilespmem:s22+$0x30]  }
.LBB2_4:
0x81: {  	v7 =	vld [tilespmem:s21+$0x40];
	v3 =	vmul.f32 $8.000000000e+00, v3;
	[tilespmem:s0+$0x70] =	vst v5  }
0x82: {  	s18 =	sadd.s32 $0x4, s18;
	v4 =	vmul.f32 $8.000000000e+00, v4;
	[tilespmem:s16+$0xFFFFFFD0] =	vst v6;
	v5 =	vld [tilespmem:s1+$0x60]  }
0x83: {  	p0 =	slt.u32 s18, $0xFC;
	v6 =	vld [tilespmem:s21+$0xFFFFFFC0];
	[tilespmem:s16+$0x10] =	vst v3;
	v1 =	vmul.f32 $8.000000000e+00, v1  }
0x84: {  	v3 =	vld [tilespmem:s21+$0x0];
	[tilespmem:s16+$0xFFFFFF90] =	vst v4;
	v0 =	vmul.f32 $8.000000000e+00, v0  }
0x85: {  	v4 =	vld [tilespmem:s21+$0xFFFFFF80];
	[tilespmem:s0+$0xFFFFFFB0] =	vst v1;
	v1 =	vmul.f32 $8.000000000e+00, v2  }
0x86: {  	v2 =	vmul.f32 $8.000000000e+00, v7;
	v7 =	vld [tilespmem:s1+$0xFFFFFFA0];
	[tilespmem:s0+$0xFFFFFFF0] =	vst v0  }
0x87: {  	v0 =	vld [tilespmem:s1+$0xFFFFFFE0];
	v5 =	vmul.f32 $8.000000000e+00, v5;
	[tilespmem:s0+$0x30] =	vst v1;
	s0 =	smov.u32 s16;
	s16 =	sadd.s32 $0x100, s16  }
0x88: {  	v1 =	vmul.f32 $8.000000000e+00, v6;
	[tilespmem:s16+$0x40] =	vst v2;
	v2 =	vld [tilespmem:s1+$0x20]  }
0x89: {  	v3 =	vmul.f32 $8.000000000e+00, v3;
	v6 =	vld [tilespmem:s21+$0x50];
	[tilespmem:s0+$0x60] =	vst v5  }
0x8a: {  	v4 =	vmul.f32 $8.000000000e+00, v4;
	[tilespmem:s16+$0xFFFFFFC0] =	vst v1;
	v5 =	vld [tilespmem:s1+$0x70]  }
0x8b: {  	v8 =	vld [tilespmem:s21+$0xFFFFFFD0];
	[tilespmem:s16+$0x0] =	vst v3;
	v1 =	vmul.f32 $8.000000000e+00, v7  }
.Ltmp1:
0x8c: {  	[tilespmem:s16+$0xFFFFFF80] =	vst v4;
	v3 =	vld [tilespmem:s21+$0x10];
	v0 =	vmul.f32 $8.000000000e+00, v0;
	(pc) =	sbr.rel @p0 .LBB2_4-.Ltmp1, $4  }
0x8d: {  	v4 =	vld [tilespmem:s21+$0xFFFFFF90];
	[tilespmem:s0+$0xFFFFFFA0] =	vst v1;
	v2 =	vmul.f32 $8.000000000e+00, v2  }
0x8e: {  	v7 =	vmul.f32 $8.000000000e+00, v6;
	v1 =	vld [tilespmem:s1+$0xFFFFFFB0];
	[tilespmem:s0+$0xFFFFFFE0] =	vst v0  }
0x8f: {  	v0 =	vld [tilespmem:s1+$0xFFFFFFF0];
	[tilespmem:s0+$0x20] =	vst v2;
	v5 =	vmul.f32 $8.000000000e+00, v5  }
0x90: {  	v6 =	vmul.f32 $8.000000000e+00, v8;
	[tilespmem:s16+$0x50] =	vst v7;
	v2 =	vld [tilespmem:s1+$0x30];
	s1 =	smov.u32 s21;
	s21 =	sadd.s32 $0x100, s21  }
0x91: {  	v3 =	vmul.f32 $8.000000000e+00, v3  }
0x92: {  	v7 =	vld [tilespmem:s1+$0x60];
	v4 =	vmul.f32 $8.000000000e+00, v4;
	[tilespmem:s16+$0xFFFFFFD0] =	vst v6  }
0x93: {  	[tilespmem:s16+$0x10] =	vst v3;
	v53 =	vld [tilespmem:s1+$0xFFFFFFE0]  }
0x94: {  	[tilespmem:s16+$0xFFFFFF90] =	vst v4;
	v54 =	vld [tilespmem:s1+$0x20]  }
0x95: {  	v4 =	vld [tilespmem:s1+$0xFFFFFFA0];
	_ =	sdelay $0x1  }
0x96: {  	v7 =	vmul.f32 $8.000000000e+00, v7  }
0x97: {  	v3 =	vmul.f32 $8.000000000e+00, v53  }
0x98: {  	[tilespmem:s16+$0x60] =	vst v7;
	v6 =	vmul.f32 $8.000000000e+00, v54  }
0x99: {  	v55 =	vld [tilespmem:s1+$0x70];
	v4 =	vmul.f32 $8.000000000e+00, v4;
	[tilespmem:s16+$0xFFFFFFE0] =	vst v3  }
0x9a: {  	[tilespmem:s16+$0x20] =	vst v6;
	v57 =	vld [tilespmem:s1+$0xFFFFFFF0]  }
0x9b: {  	v1 =	vmul.f32 $8.000000000e+00, v1;
	[tilespmem:s16+$0xFFFFFFA0] =	vst v4;
	v58 =	vld [tilespmem:s1+$0x30]  }
0x9c: {  	[tilespmem:s0+$0x70] =	vst v5;
	v0 =	vmul.f32 $8.000000000e+00, v0;
	v56 =	vld [tilespmem:s1+$0xFFFFFFB0]  }
0x9d: {  	[tilespmem:s0+$0xFFFFFFB0] =	vst v1;
	v59 =	vmul.f32 $8.000000000e+00, v2  }
0x9e: {  	[tilespmem:s0+$0xFFFFFFF0] =	vst v0;
	v60 =	vmul.f32 $8.000000000e+00, v55  }
0x9f: {  	[tilespmem:s0+$0x30] =	vst v59;
	v62 =	vmul.f32 $8.000000000e+00, v57  }
0xa0: {  	[tilespmem:s16+$0x70] =	vst v60;
	v63 =	vmul.f32 $8.000000000e+00, v58  }
0xa1: {  	v61 =	vmul.f32 $8.000000000e+00, v56;
	[tilespmem:s16+$0xFFFFFFF0] =	vst v62  }
0xa2: {  	[tilespmem:s16+$0x30] =	vst v63  }
0xa3: {  	s22 =	simm.s32 $0x300;
	[tilespmem:s16+$0xFFFFFFB0] =	vst v61  }
0xa4: {  	[tilespmem:s17], [sflag:$0x2] =	stream.indirect.gather [hbm4b:s5+s13], $0x40, s22, s13, $0xb8;
	[tilespmem:$0x16400] =	vst v63  }
0xa5: {  	s25 =	simm.s32 $0x380  }
0xa6: {  	[tilespmem:s19], [sflag:$0x2] =	stream.indirect.gather [hbm4b:s5+s13], $0x40, s25, s13, $0xb8;
	[tilespmem:$0x16400] =	vst v63  }
0xa7: {  	s1 =	simm.s32 $0x1  }
0xa8: {  	[hbm4b:s8+s3] =	stream.linear.scatter [tilespmem:s28], [sflag:$0x4], $0x4000, $0x38;
	[tilespmem:$0x16400] =	vst v63  }
.LBB2_6:
0xa9: {  	_ =	swait.ge [sflag:s20], $0x4000  }
0xaa: {  	[sflag:s20] =	ssyncset.done $0x0  }
0xab: {  	[sflag:s20] =	ssyncadd.s32 $0xFFFFC000  }
0xac: {  	_ =	swait.ge [sflag:s29], $0x4000  }
0xad: {  	[sflag:s29] =	ssyncset.done $0x0  }
0xae: {  	s25 =	simm.s32 $0x6480;
	[sflag:s29] =	ssyncadd.s32 $0xFFFFC000  }
0xaf: {  	v0 =	vld [tilespmem:s25+$0x40];
	_ =	sdelay $0x3  }
0xb0: {  	v1 =	vld [tilespmem:s25+$0xFFFFFF80]  }
0xb1: {  	v2 =	vld [tilespmem:s25+$0xFFFFFFC0];
	v0 =	vmul.f32 $8.000000000e+00, v0  }
0xb2: {  	s0 =	simm.s32 $0xE480;
	v3 =	vld [tilespmem:s25+$0x0]  }
0xb3: {  	[tilespmem:s0+$0x40] =	vst v0  }
0xb4: {  	v0 =	vld [tilespmem:s25+$0x50]  }
0xb5: {  	v1 =	vmul.f32 $8.000000000e+00, v1  }
0xb6: {  	v2 =	vmul.f32 $8.000000000e+00, v2  }
0xb7: {  	v3 =	vmul.f32 $8.000000000e+00, v3;
	[tilespmem:s0+$0xFFFFFF80] =	vst v1  }
0xb8: {  	[tilespmem:s0+$0xFFFFFFC0] =	vst v2;
	v1 =	vld [tilespmem:s25+$0xFFFFFF90]  }
0xb9: {  	[tilespmem:s0+$0x0] =	vst v3;
	v2 =	vld [tilespmem:s25+$0xFFFFFFD0];
	v0 =	vmul.f32 $8.000000000e+00, v0  }
0xba: {  	s16 =	simm.s32 $0x6580;
	v3 =	vld [tilespmem:s25+$0x10]  }
0xbb: {  	[tilespmem:s0+$0x50] =	vst v0;
	v0 =	vld [tilespmem:s16+$0x40]  }
0xbc: {  	v4 =	vld [tilespmem:s25+$0x60]  }
0xbd: {  	v5 =	vld [tilespmem:s16+$0xFFFFFFC0];
	v1 =	vmul.f32 $8.000000000e+00, v1  }
0xbe: {  	v6 =	vld [tilespmem:s16+$0x0];
	v2 =	vmul.f32 $8.000000000e+00, v2  }
0xbf: {  	v3 =	vmul.f32 $8.000000000e+00, v3;
	[tilespmem:s0+$0xFFFFFF90] =	vst v1;
	v1 =	vld [tilespmem:s16+$0xFFFFFF80]  }
0xc0: {  	[tilespmem:s0+$0xFFFFFFD0] =	vst v2;
	v2 =	vld [tilespmem:s25+$0xFFFFFFA0];
	v0 =	vmul.f32 $8.000000000e+00, v0  }
0xc1: {  	s18 =	simm.s32 $0xE580;
	[tilespmem:s0+$0x10] =	vst v3;
	v7 =	vld [tilespmem:s25+$0xFFFFFFE0];
	v3 =	vmul.f32 $8.000000000e+00, v4  }
0xc2: {  	v4 =	vmul.f32 $8.000000000e+00, v5;
	[tilespmem:s18+$0x40] =	vst v0;
	v0 =	vld [tilespmem:s25+$0x20]  }
0xc3: {  	v5 =	vmul.f32 $8.000000000e+00, v6;
	v6 =	vld [tilespmem:s16+$0x50];
	[tilespmem:s0+$0x60] =	vst v3  }
0xc4: {  	v1 =	vmul.f32 $8.000000000e+00, v1;
	[tilespmem:s18+$0xFFFFFFC0] =	vst v4;
	v8 =	vld [tilespmem:s25+$0x70]  }
0xc5: {  	v2 =	vmul.f32 $8.000000000e+00, v2;
	[tilespmem:s18+$0x0] =	vst v5;
	v9 =	vld [tilespmem:s16+$0xFFFFFFD0]  }
0xc6: {  	[tilespmem:s18+$0xFFFFFF80] =	vst v1;
	v5 =	vmul.f32 $8.000000000e+00, v7;
	v3 =	vld [tilespmem:s16+$0x10]  }
0xc7: {  	v4 =	vld [tilespmem:s16+$0xFFFFFF90];
	[tilespmem:s0+$0xFFFFFFA0] =	vst v2;
	v2 =	vmul.f32 $8.000000000e+00, v0  }
0xc8: {  	v1 =	vld [tilespmem:s25+$0xFFFFFFB0];
	[tilespmem:s0+$0xFFFFFFE0] =	vst v5;
	v7 =	vmul.f32 $8.000000000e+00, v6  }
0xc9: {  	v0 =	vld [tilespmem:s25+$0xFFFFFFF0];
	[tilespmem:s0+$0x20] =	vst v2;
	v5 =	vmul.f32 $8.000000000e+00, v8  }
0xca: {  	s21 =	simm.s32 $0x4;
	s22 =	simm.s32 $0x6680;
	v6 =	vmul.f32 $8.000000000e+00, v9;
	[tilespmem:s18+$0x50] =	vst v7;
	v2 =	vld [tilespmem:s25+$0x30]  }
.LBB2_7:
0xcb: {  	v7 =	vld [tilespmem:s22+$0x40];
	v3 =	vmul.f32 $8.000000000e+00, v3;
	[tilespmem:s0+$0x70] =	vst v5  }
0xcc: {  	s21 =	sadd.s32 $0x4, s21;
	v4 =	vmul.f32 $8.000000000e+00, v4;
	[tilespmem:s18+$0xFFFFFFD0] =	vst v6;
	v5 =	vld [tilespmem:s16+$0x60]  }
0xcd: {  	p0 =	slt.u32 s21, $0xFC;
	v6 =	vld [tilespmem:s22+$0xFFFFFFC0];
	[tilespmem:s18+$0x10] =	vst v3;
	v1 =	vmul.f32 $8.000000000e+00, v1  }
0xce: {  	v3 =	vld [tilespmem:s22+$0x0];
	[tilespmem:s18+$0xFFFFFF90] =	vst v4;
	v0 =	vmul.f32 $8.000000000e+00, v0  }
0xcf: {  	v4 =	vld [tilespmem:s22+$0xFFFFFF80];
	[tilespmem:s0+$0xFFFFFFB0] =	vst v1;
	v1 =	vmul.f32 $8.000000000e+00, v2  }
0xd0: {  	v2 =	vmul.f32 $8.000000000e+00, v7;
	v7 =	vld [tilespmem:s16+$0xFFFFFFA0];
	[tilespmem:s0+$0xFFFFFFF0] =	vst v0  }
0xd1: {  	v0 =	vld [tilespmem:s16+$0xFFFFFFE0];
	v5 =	vmul.f32 $8.000000000e+00, v5;
	[tilespmem:s0+$0x30] =	vst v1;
	s0 =	smov.u32 s18;
	s18 =	sadd.s32 $0x100, s18  }
0xd2: {  	v1 =	vmul.f32 $8.000000000e+00, v6;
	[tilespmem:s18+$0x40] =	vst v2;
	v2 =	vld [tilespmem:s16+$0x20]  }
0xd3: {  	v3 =	vmul.f32 $8.000000000e+00, v3;
	v6 =	vld [tilespmem:s22+$0x50];
	[tilespmem:s0+$0x60] =	vst v5  }
0xd4: {  	v4 =	vmul.f32 $8.000000000e+00, v4;
	[tilespmem:s18+$0xFFFFFFC0] =	vst v1;
	v5 =	vld [tilespmem:s16+$0x70]  }
0xd5: {  	v8 =	vld [tilespmem:s22+$0xFFFFFFD0];
	[tilespmem:s18+$0x0] =	vst v3;
	v1 =	vmul.f32 $8.000000000e+00, v7  }
.Ltmp2:
0xd6: {  	[tilespmem:s18+$0xFFFFFF80] =	vst v4;
	v3 =	vld [tilespmem:s22+$0x10];
	v0 =	vmul.f32 $8.000000000e+00, v0;
	(pc) =	sbr.rel @p0 .LBB2_7-.Ltmp2, $4  }
0xd7: {  	v4 =	vld [tilespmem:s22+$0xFFFFFF90];
	[tilespmem:s0+$0xFFFFFFA0] =	vst v1;
	v2 =	vmul.f32 $8.000000000e+00, v2  }
0xd8: {  	v7 =	vmul.f32 $8.000000000e+00, v6;
	v1 =	vld [tilespmem:s16+$0xFFFFFFB0];
	[tilespmem:s0+$0xFFFFFFE0] =	vst v0  }
0xd9: {  	v0 =	vld [tilespmem:s16+$0xFFFFFFF0];
	[tilespmem:s0+$0x20] =	vst v2;
	v5 =	vmul.f32 $8.000000000e+00, v5  }
0xda: {  	v6 =	vmul.f32 $8.000000000e+00, v8;
	[tilespmem:s18+$0x50] =	vst v7;
	v2 =	vld [tilespmem:s16+$0x30];
	s16 =	smov.u32 s22;
	s22 =	sadd.s32 $0x100, s22  }
0xdb: {  	_ = 	snop  }
0xdc: {  	v4 =	vmul.f32 $8.000000000e+00, v4;
	_ =	sdelay $0x1  }
0xdd: {  	v3 =	vmul.f32 $8.000000000e+00, v3;
	v7 =	vld [tilespmem:s16+$0x60];
	[tilespmem:s18+$0xFFFFFF90] =	vst v4  }
0xde: {  	[tilespmem:s18+$0xFFFFFFD0] =	vst v6;
	v4 =	vld [tilespmem:s16+$0xFFFFFFA0]  }
0xdf: {  	[tilespmem:s18+$0x10] =	vst v3;
	v3 =	vld [tilespmem:s16+$0xFFFFFFE0]  }
0xe0: {  	v6 =	vld [tilespmem:s16+$0x20];
	_ =	sdelay $0x1  }
0xe1: {  	v7 =	vmul.f32 $8.000000000e+00, v7  }
0xe2: {  	v4 =	vmul.f32 $8.000000000e+00, v4  }
0xe3: {  	[tilespmem:s18+$0x60] =	vst v7;
	v3 =	vmul.f32 $8.000000000e+00, v3  }
0xe4: {  	v7 =	vld [tilespmem:s16+$0x70];
	[tilespmem:s18+$0xFFFFFFA0] =	vst v4;
	v4 =	vmul.f32 $8.000000000e+00, v6  }
0xe5: {  	[tilespmem:s18+$0xFFFFFFE0] =	vst v3;
	v6 =	vld [tilespmem:s16+$0xFFFFFFB0]  }
0xe6: {  	v1 =	vmul.f32 $8.000000000e+00, v1;
	v3 =	vld [tilespmem:s16+$0xFFFFFFF0];
	[tilespmem:s18+$0x20] =	vst v4  }
0xe7: {  	[tilespmem:s0+$0x70] =	vst v5;
	v0 =	vmul.f32 $8.000000000e+00, v0;
	v4 =	vld [tilespmem:s16+$0x30]  }
0xe8: {  	[tilespmem:s0+$0xFFFFFFB0] =	vst v1;
	v1 =	vmul.f32 $8.000000000e+00, v2  }
0xe9: {  	[tilespmem:s0+$0xFFFFFFF0] =	vst v0;
	v0 =	vmul.f32 $8.000000000e+00, v7  }
0xea: {  	[tilespmem:s0+$0x30] =	vst v1;
	v1 =	vmul.f32 $8.000000000e+00, v6  }
0xeb: {  	[tilespmem:s18+$0x70] =	vst v0;
	v0 =	vmul.f32 $8.000000000e+00, v3  }
0xec: {  	s16 =	sshll.u32 s1, $0x9;
	[tilespmem:s18+$0xFFFFFFB0] =	vst v1;
	v1 =	vmul.f32 $8.000000000e+00, v4  }
0xed: {  	s25 =	sshll.u32 s1, $0xF;
	s0 =	sand.u32 $0x3FFFFE00, s16;
	[tilespmem:s18+$0xFFFFFFF0] =	vst v0  }
0xee: {  	s16 =	sadd.s32 s4, s25;
	s21 =	sadd.s32 $0x200, s0;
	[tilespmem:s18+$0x30] =	vst v1  }
0xef: {  	[tilespmem:s14], [sflag:$0x1] =	stream.indirect.gather [hbm4b:s5+s13], $0x40, s21, s13, $0xb8;
	[tilespmem:$0x16400] =	vst v63  }
0xf0: {  	s22 =	sadd.s32 $0x280, s0;
	s16 =	sshrl.u32 s16, $0x3  }
0xf1: {  	[tilespmem:s15], [sflag:$0x1] =	stream.indirect.gather [hbm4b:s5+s13], $0x40, s22, s13, $0xb8;
	[tilespmem:$0x16400] =	vst v63  }
0xf2: {  	s16 =	sadd.s32 s2, s16  }
0xf3: {  	[hbm4b:s16+s3] =	stream.linear.scatter [tilespmem:s23], [sflag:$0x3], $0x4000, $0x38;
	[tilespmem:$0x16400] =	vst v63  }
0xf4: {  	_ =	swait.ge [sflag:s24], $0x4000  }
0xf5: {  	[sflag:s24] =	ssyncset.done $0x0  }
0xf6: {  	[sflag:s24] =	ssyncadd.s32 $0xFFFFC000  }
0xf7: {  	_ =	swait.ge [sflag:s30], $0x4000  }
0xf8: {  	[sflag:s30] =	ssyncset.done $0x0  }
0xf9: {  	[sflag:s30] =	ssyncadd.s32 $0xFFFFC000  }
0xfa: {  	v0 =	vld [tilespmem:s26+$0x40];
	_ =	sdelay $0x3  }
0xfb: {  	v1 =	vld [tilespmem:s26+$0xFFFFFF80]  }
0xfc: {  	v2 =	vld [tilespmem:s26+$0xFFFFFFC0];
	v0 =	vmul.f32 $8.000000000e+00, v0  }
0xfd: {  	s16 =	simm.s32 $0x12480;
	v3 =	vld [tilespmem:s26+$0x0]  }
0xfe: {  	[tilespmem:s16+$0x40] =	vst v0  }
0xff: {  	v0 =	vld [tilespmem:s26+$0x50]  }
0x100: {  	v1 =	vmul.f32 $8.000000000e+00, v1  }
0x101: {  	v2 =	vmul.f32 $8.000000000e+00, v2  }
0x102: {  	v3 =	vmul.f32 $8.000000000e+00, v3;
	[tilespmem:s16+$0xFFFFFF80] =	vst v1  }
0x103: {  	[tilespmem:s16+$0xFFFFFFC0] =	vst v2;
	v1 =	vld [tilespmem:s26+$0xFFFFFF90]  }
0x104: {  	[tilespmem:s16+$0x0] =	vst v3;
	v2 =	vld [tilespmem:s26+$0xFFFFFFD0];
	v0 =	vmul.f32 $8.000000000e+00, v0  }
0x105: {  	s18 =	simm.s32 $0xA580;
	v3 =	vld [tilespmem:s26+$0x10]  }
0x106: {  	[tilespmem:s16+$0x50] =	vst v0;
	v0 =	vld [tilespmem:s18+$0x40]  }
0x107: {  	v4 =	vld [tilespmem:s26+$0x60]  }
0x108: {  	v5 =	vld [tilespmem:s18+$0xFFFFFFC0];
	v1 =	vmul.f32 $8.000000000e+00, v1  }
0x109: {  	v6 =	vld [tilespmem:s18+$0x0];
	v2 =	vmul.f32 $8.000000000e+00, v2  }
0x10a: {  	v3 =	vmul.f32 $8.000000000e+00, v3;
	[tilespmem:s16+$0xFFFFFF90] =	vst v1;
	v1 =	vld [tilespmem:s18+$0xFFFFFF80]  }
0x10b: {  	[tilespmem:s16+$0xFFFFFFD0] =	vst v2;
	v2 =	vld [tilespmem:s26+$0xFFFFFFA0];
	v0 =	vmul.f32 $8.000000000e+00, v0  }
0x10c: {  	s21 =	simm.s32 $0x12580;
	[tilespmem:s16+$0x10] =	vst v3;
	v7 =	vld [tilespmem:s26+$0xFFFFFFE0];
	v3 =	vmul.f32 $8.000000000e+00, v4  }
0x10d: {  	v4 =	vmul.f32 $8.000000000e+00, v5;
	[tilespmem:s21+$0x40] =	vst v0;
	v0 =	vld [tilespmem:s26+$0x20]  }
0x10e: {  	v5 =	vmul.f32 $8.000000000e+00, v6;
	v6 =	vld [tilespmem:s18+$0x50];
	[tilespmem:s16+$0x60] =	vst v3  }
0x10f: {  	v1 =	vmul.f32 $8.000000000e+00, v1;
	[tilespmem:s21+$0xFFFFFFC0] =	vst v4;
	v8 =	vld [tilespmem:s26+$0x70]  }
0x110: {  	v2 =	vmul.f32 $8.000000000e+00, v2;
	[tilespmem:s21+$0x0] =	vst v5;
	v9 =	vld [tilespmem:s18+$0xFFFFFFD0]  }
0x111: {  	[tilespmem:s21+$0xFFFFFF80] =	vst v1;
	v5 =	vmul.f32 $8.000000000e+00, v7;
	v3 =	vld [tilespmem:s18+$0x10]  }
0x112: {  	v4 =	vld [tilespmem:s18+$0xFFFFFF90];
	[tilespmem:s16+$0xFFFFFFA0] =	vst v2;
	v2 =	vmul.f32 $8.000000000e+00, v0  }
0x113: {  	v1 =	vld [tilespmem:s26+$0xFFFFFFB0];
	[tilespmem:s16+$0xFFFFFFE0] =	vst v5;
	v7 =	vmul.f32 $8.000000000e+00, v6  }
0x114: {  	v0 =	vld [tilespmem:s26+$0xFFFFFFF0];
	[tilespmem:s16+$0x20] =	vst v2;
	v5 =	vmul.f32 $8.000000000e+00, v8  }
0x115: {  	s25 =	simm.s32 $0xA680;
	s22 =	simm.s32 $0x4;
	v6 =	vmul.f32 $8.000000000e+00, v9;
	[tilespmem:s21+$0x50] =	vst v7;
	v2 =	vld [tilespmem:s26+$0x30]  }
.LBB2_9:
0x116: {  	v7 =	vld [tilespmem:s25+$0x40];
	v3 =	vmul.f32 $8.000000000e+00, v3;
	[tilespmem:s16+$0x70] =	vst v5  }
0x117: {  	s22 =	sadd.s32 $0x4, s22;
	v4 =	vmul.f32 $8.000000000e+00, v4;
	[tilespmem:s21+$0xFFFFFFD0] =	vst v6;
	v5 =	vld [tilespmem:s18+$0x60]  }
0x118: {  	p0 =	slt.u32 s22, $0xFC;
	v6 =	vld [tilespmem:s25+$0xFFFFFFC0];
	[tilespmem:s21+$0x10] =	vst v3;
	v1 =	vmul.f32 $8.000000000e+00, v1  }
0x119: {  	v3 =	vld [tilespmem:s25+$0x0];
	[tilespmem:s21+$0xFFFFFF90] =	vst v4;
	v0 =	vmul.f32 $8.000000000e+00, v0  }
0x11a: {  	v4 =	vld [tilespmem:s25+$0xFFFFFF80];
	[tilespmem:s16+$0xFFFFFFB0] =	vst v1;
	v1 =	vmul.f32 $8.000000000e+00, v2  }
0x11b: {  	v2 =	vmul.f32 $8.000000000e+00, v7;
	v7 =	vld [tilespmem:s18+$0xFFFFFFA0];
	[tilespmem:s16+$0xFFFFFFF0] =	vst v0  }
0x11c: {  	v0 =	vld [tilespmem:s18+$0xFFFFFFE0];
	v5 =	vmul.f32 $8.000000000e+00, v5;
	[tilespmem:s16+$0x30] =	vst v1;
	s16 =	smov.u32 s21;
	s21 =	sadd.s32 $0x100, s21  }
0x11d: {  	v1 =	vmul.f32 $8.000000000e+00, v6;
	[tilespmem:s21+$0x40] =	vst v2;
	v2 =	vld [tilespmem:s18+$0x20]  }
0x11e: {  	v3 =	vmul.f32 $8.000000000e+00, v3;
	v6 =	vld [tilespmem:s25+$0x50];
	[tilespmem:s16+$0x60] =	vst v5  }
0x11f: {  	v4 =	vmul.f32 $8.000000000e+00, v4;
	[tilespmem:s21+$0xFFFFFFC0] =	vst v1;
	v5 =	vld [tilespmem:s18+$0x70]  }
0x120: {  	v8 =	vld [tilespmem:s25+$0xFFFFFFD0];
	[tilespmem:s21+$0x0] =	vst v3;
	v1 =	vmul.f32 $8.000000000e+00, v7  }
.Ltmp3:
0x121: {  	[tilespmem:s21+$0xFFFFFF80] =	vst v4;
	v3 =	vld [tilespmem:s25+$0x10];
	v0 =	vmul.f32 $8.000000000e+00, v0;
	(pc) =	sbr.rel @p0 .LBB2_9-.Ltmp3, $4  }
0x122: {  	v4 =	vld [tilespmem:s25+$0xFFFFFF90];
	[tilespmem:s16+$0xFFFFFFA0] =	vst v1;
	v2 =	vmul.f32 $8.000000000e+00, v2  }
0x123: {  	v7 =	vmul.f32 $8.000000000e+00, v6;
	v1 =	vld [tilespmem:s18+$0xFFFFFFB0];
	[tilespmem:s16+$0xFFFFFFE0] =	vst v0  }
0x124: {  	v0 =	vld [tilespmem:s18+$0xFFFFFFF0];
	[tilespmem:s16+$0x20] =	vst v2;
	v5 =	vmul.f32 $8.000000000e+00, v5  }
0x125: {  	v6 =	vmul.f32 $8.000000000e+00, v8;
	[tilespmem:s21+$0x50] =	vst v7;
	v2 =	vld [tilespmem:s18+$0x30];
	s18 =	smov.u32 s25;
	s25 =	sadd.s32 $0x100, s25  }
0x126: {  	v3 =	vmul.f32 $8.000000000e+00, v3  }
0x127: {  	v7 =	vld [tilespmem:s18+$0x60];
	v4 =	vmul.f32 $8.000000000e+00, v4;
	[tilespmem:s21+$0xFFFFFFD0] =	vst v6  }
0x128: {  	[tilespmem:s21+$0x10] =	vst v3;
	v53 =	vld [tilespmem:s18+$0xFFFFFFE0]  }
0x129: {  	[tilespmem:s21+$0xFFFFFF90] =	vst v4;
	v54 =	vld [tilespmem:s18+$0x20]  }
0x12a: {  	v4 =	vld [tilespmem:s18+$0xFFFFFFA0];
	_ =	sdelay $0x1  }
0x12b: {  	v7 =	vmul.f32 $8.000000000e+00, v7  }
0x12c: {  	v3 =	vmul.f32 $8.000000000e+00, v53  }
0x12d: {  	[tilespmem:s21+$0x60] =	vst v7;
	v6 =	vmul.f32 $8.000000000e+00, v54  }
0x12e: {  	v55 =	vld [tilespmem:s18+$0x70];
	v4 =	vmul.f32 $8.000000000e+00, v4;
	[tilespmem:s21+$0xFFFFFFE0] =	vst v3  }
0x12f: {  	[tilespmem:s21+$0x20] =	vst v6;
	v57 =	vld [tilespmem:s18+$0xFFFFFFF0]  }
0x130: {  	v1 =	vmul.f32 $8.000000000e+00, v1;
	[tilespmem:s21+$0xFFFFFFA0] =	vst v4;
	v58 =	vld [tilespmem:s18+$0x30]  }
0x131: {  	[tilespmem:s16+$0x70] =	vst v5;
	v0 =	vmul.f32 $8.000000000e+00, v0;
	v56 =	vld [tilespmem:s18+$0xFFFFFFB0]  }
0x132: {  	[tilespmem:s16+$0xFFFFFFB0] =	vst v1;
	v59 =	vmul.f32 $8.000000000e+00, v2  }
0x133: {  	[tilespmem:s16+$0xFFFFFFF0] =	vst v0;
	v60 =	vmul.f32 $8.000000000e+00, v55  }
0x134: {  	[tilespmem:s16+$0x30] =	vst v59;
	v62 =	vmul.f32 $8.000000000e+00, v57  }
0x135: {  	[tilespmem:s21+$0x70] =	vst v60;
	v63 =	vmul.f32 $8.000000000e+00, v58  }
0x136: {  	v61 =	vmul.f32 $8.000000000e+00, v56;
	[tilespmem:s21+$0xFFFFFFF0] =	vst v62  }
0x137: {  	s25 =	sshll.u32 s1, $0xC;
	s1 =	sadd.s32 $0x1, s1;
	[tilespmem:s21+$0x30] =	vst v63  }
0x138: {  	p0 =	sne.s32 s1, $0x31;
	[tilespmem:s21+$0xFFFFFFB0] =	vst v61;
	s21 =	sadd.s32 $0x300, s0  }
0x139: {  	[tilespmem:s17], [sflag:$0x2] =	stream.indirect.gather [hbm4b:s5+s13], $0x40, s21, s13, $0xb8;
	[tilespmem:$0x16400] =	vst v63  }
.Ltmp4:
0x13a: {  	_ = 	snop;
	(pc) =	sbr.rel @p0 .LBB2_6-.Ltmp4, $4  }
0x13b: {  	s22 =	sadd.s32 $0x380, s0  }
0x13c: {  	[tilespmem:s19], [sflag:$0x2] =	stream.indirect.gather [hbm4b:s5+s13], $0x40, s22, s13, $0xb8;
	[tilespmem:$0x16400] =	vst v63  }
0x13d: {  	s0 =	sadd.s32 s8, s25  }
0x13e: {  	[hbm4b:s0+s3] =	stream.linear.scatter [tilespmem:s28], [sflag:$0x4], $0x4000, $0x38;
	[tilespmem:$0x16400] =	vst v63  }
0x13f: {  	_ =	swait.ge [sflag:s20], $0x4000  }
0x140: {  	[sflag:s20] =	ssyncset.done $0x0  }
0x141: {  	[sflag:s20] =	ssyncadd.s32 $0xFFFFC000  }
0x142: {  	_ =	swait.ge [sflag:s29], $0x4000  }
0x143: {  	[sflag:s29] =	ssyncset.done $0x0  }
0x144: {  	s22 =	simm.s32 $0x6480;
	[sflag:s29] =	ssyncadd.s32 $0xFFFFC000  }
0x145: {  	v0 =	vld [tilespmem:s22+$0x40];
	_ =	sdelay $0x3  }
0x146: {  	v1 =	vld [tilespmem:s22+$0xFFFFFF80]  }
0x147: {  	v2 =	vld [tilespmem:s22+$0xFFFFFFC0];
	v0 =	vmul.f32 $8.000000000e+00, v0  }
0x148: {  	s0 =	simm.s32 $0xE480;
	v3 =	vld [tilespmem:s22+$0x0]  }
0x149: {  	[tilespmem:s0+$0x40] =	vst v0  }
0x14a: {  	v0 =	vld [tilespmem:s22+$0x50]  }
0x14b: {  	v1 =	vmul.f32 $8.000000000e+00, v1  }
0x14c: {  	v2 =	vmul.f32 $8.000000000e+00, v2  }
0x14d: {  	v3 =	vmul.f32 $8.000000000e+00, v3;
	[tilespmem:s0+$0xFFFFFF80] =	vst v1  }
0x14e: {  	[tilespmem:s0+$0xFFFFFFC0] =	vst v2;
	v1 =	vld [tilespmem:s22+$0xFFFFFF90]  }
0x14f: {  	[tilespmem:s0+$0x0] =	vst v3;
	v2 =	vld [tilespmem:s22+$0xFFFFFFD0];
	v0 =	vmul.f32 $8.000000000e+00, v0  }
0x150: {  	s1 =	simm.s32 $0x6580;
	v3 =	vld [tilespmem:s22+$0x10]  }
0x151: {  	[tilespmem:s0+$0x50] =	vst v0;
	v0 =	vld [tilespmem:s1+$0x40]  }
0x152: {  	v4 =	vld [tilespmem:s22+$0x60]  }
0x153: {  	v5 =	vld [tilespmem:s1+$0xFFFFFFC0];
	v1 =	vmul.f32 $8.000000000e+00, v1  }
0x154: {  	v6 =	vld [tilespmem:s1+$0x0];
	v2 =	vmul.f32 $8.000000000e+00, v2  }
0x155: {  	v3 =	vmul.f32 $8.000000000e+00, v3;
	[tilespmem:s0+$0xFFFFFF90] =	vst v1;
	v1 =	vld [tilespmem:s1+$0xFFFFFF80]  }
0x156: {  	[tilespmem:s0+$0xFFFFFFD0] =	vst v2;
	v2 =	vld [tilespmem:s22+$0xFFFFFFA0];
	v0 =	vmul.f32 $8.000000000e+00, v0  }
0x157: {  	s16 =	simm.s32 $0xE580;
	[tilespmem:s0+$0x10] =	vst v3;
	v7 =	vld [tilespmem:s22+$0xFFFFFFE0];
	v3 =	vmul.f32 $8.000000000e+00, v4  }
0x158: {  	v4 =	vmul.f32 $8.000000000e+00, v5;
	[tilespmem:s16+$0x40] =	vst v0;
	v0 =	vld [tilespmem:s22+$0x20]  }
0x159: {  	v5 =	vmul.f32 $8.000000000e+00, v6;
	v6 =	vld [tilespmem:s1+$0x50];
	[tilespmem:s0+$0x60] =	vst v3  }
0x15a: {  	v1 =	vmul.f32 $8.000000000e+00, v1;
	[tilespmem:s16+$0xFFFFFFC0] =	vst v4;
	v8 =	vld [tilespmem:s22+$0x70]  }
0x15b: {  	v2 =	vmul.f32 $8.000000000e+00, v2;
	[tilespmem:s16+$0x0] =	vst v5;
	v9 =	vld [tilespmem:s1+$0xFFFFFFD0]  }
0x15c: {  	[tilespmem:s16+$0xFFFFFF80] =	vst v1;
	v5 =	vmul.f32 $8.000000000e+00, v7;
	v3 =	vld [tilespmem:s1+$0x10]  }
0x15d: {  	v4 =	vld [tilespmem:s1+$0xFFFFFF90];
	[tilespmem:s0+$0xFFFFFFA0] =	vst v2;
	v2 =	vmul.f32 $8.000000000e+00, v0  }
0x15e: {  	v1 =	vld [tilespmem:s22+$0xFFFFFFB0];
	[tilespmem:s0+$0xFFFFFFE0] =	vst v5;
	v7 =	vmul.f32 $8.000000000e+00, v6  }
0x15f: {  	v0 =	vld [tilespmem:s22+$0xFFFFFFF0];
	[tilespmem:s0+$0x20] =	vst v2;
	v5 =	vmul.f32 $8.000000000e+00, v8  }
0x160: {  	s18 =	simm.s32 $0x4;
	s21 =	simm.s32 $0x6680;
	v6 =	vmul.f32 $8.000000000e+00, v9;
	[tilespmem:s16+$0x50] =	vst v7;
	v2 =	vld [tilespmem:s22+$0x30]  }
.LBB2_12:
0x161: {  	v7 =	vld [tilespmem:s21+$0x40];
	v3 =	vmul.f32 $8.000000000e+00, v3;
	[tilespmem:s0+$0x70] =	vst v5  }
0x162: {  	s18 =	sadd.s32 $0x4, s18;
	v4 =	vmul.f32 $8.000000000e+00, v4;
	[tilespmem:s16+$0xFFFFFFD0] =	vst v6;
	v5 =	vld [tilespmem:s1+$0x60]  }
0x163: {  	p0 =	slt.u32 s18, $0xFC;
	v6 =	vld [tilespmem:s21+$0xFFFFFFC0];
	[tilespmem:s16+$0x10] =	vst v3;
	v1 =	vmul.f32 $8.000000000e+00, v1  }
0x164: {  	v3 =	vld [tilespmem:s21+$0x0];
	[tilespmem:s16+$0xFFFFFF90] =	vst v4;
	v0 =	vmul.f32 $8.000000000e+00, v0  }
0x165: {  	v4 =	vld [tilespmem:s21+$0xFFFFFF80];
	[tilespmem:s0+$0xFFFFFFB0] =	vst v1;
	v1 =	vmul.f32 $8.000000000e+00, v2  }
0x166: {  	v2 =	vmul.f32 $8.000000000e+00, v7;
	v7 =	vld [tilespmem:s1+$0xFFFFFFA0];
	[tilespmem:s0+$0xFFFFFFF0] =	vst v0  }
0x167: {  	v0 =	vld [tilespmem:s1+$0xFFFFFFE0];
	v5 =	vmul.f32 $8.000000000e+00, v5;
	[tilespmem:s0+$0x30] =	vst v1;
	s0 =	smov.u32 s16;
	s16 =	sadd.s32 $0x100, s16  }
0x168: {  	v1 =	vmul.f32 $8.000000000e+00, v6;
	[tilespmem:s16+$0x40] =	vst v2;
	v2 =	vld [tilespmem:s1+$0x20]  }
0x169: {  	v3 =	vmul.f32 $8.000000000e+00, v3;
	v6 =	vld [tilespmem:s21+$0x50];
	[tilespmem:s0+$0x60] =	vst v5  }
0x16a: {  	v4 =	vmul.f32 $8.000000000e+00, v4;
	[tilespmem:s16+$0xFFFFFFC0] =	vst v1;
	v5 =	vld [tilespmem:s1+$0x70]  }
0x16b: {  	v8 =	vld [tilespmem:s21+$0xFFFFFFD0];
	[tilespmem:s16+$0x0] =	vst v3;
	v1 =	vmul.f32 $8.000000000e+00, v7  }
.Ltmp5:
0x16c: {  	[tilespmem:s16+$0xFFFFFF80] =	vst v4;
	v3 =	vld [tilespmem:s21+$0x10];
	v0 =	vmul.f32 $8.000000000e+00, v0;
	(pc) =	sbr.rel @p0 .LBB2_12-.Ltmp5, $4  }
0x16d: {  	v4 =	vld [tilespmem:s21+$0xFFFFFF90];
	[tilespmem:s0+$0xFFFFFFA0] =	vst v1;
	v2 =	vmul.f32 $8.000000000e+00, v2  }
0x16e: {  	v7 =	vmul.f32 $8.000000000e+00, v6;
	v1 =	vld [tilespmem:s1+$0xFFFFFFB0];
	[tilespmem:s0+$0xFFFFFFE0] =	vst v0  }
0x16f: {  	v0 =	vld [tilespmem:s1+$0xFFFFFFF0];
	[tilespmem:s0+$0x20] =	vst v2;
	v5 =	vmul.f32 $8.000000000e+00, v5  }
0x170: {  	v6 =	vmul.f32 $8.000000000e+00, v8;
	[tilespmem:s16+$0x50] =	vst v7;
	v2 =	vld [tilespmem:s1+$0x30];
	s1 =	smov.u32 s21;
	s21 =	sadd.s32 $0x100, s21  }
0x171: {  	_ = 	snop  }
0x172: {  	v4 =	vmul.f32 $8.000000000e+00, v4;
	_ =	sdelay $0x1  }
0x173: {  	v3 =	vmul.f32 $8.000000000e+00, v3;
	v7 =	vld [tilespmem:s1+$0x60];
	[tilespmem:s16+$0xFFFFFF90] =	vst v4  }
0x174: {  	[tilespmem:s16+$0xFFFFFFD0] =	vst v6;
	v4 =	vld [tilespmem:s1+$0xFFFFFFA0]  }
0x175: {  	[tilespmem:s16+$0x10] =	vst v3;
	v3 =	vld [tilespmem:s1+$0xFFFFFFE0]  }
0x176: {  	v6 =	vld [tilespmem:s1+$0x20];
	_ =	sdelay $0x1  }
0x177: {  	v7 =	vmul.f32 $8.000000000e+00, v7  }
0x178: {  	v4 =	vmul.f32 $8.000000000e+00, v4  }
0x179: {  	[tilespmem:s16+$0x60] =	vst v7;
	v3 =	vmul.f32 $8.000000000e+00, v3  }
0x17a: {  	v7 =	vld [tilespmem:s1+$0x70];
	[tilespmem:s16+$0xFFFFFFA0] =	vst v4;
	v4 =	vmul.f32 $8.000000000e+00, v6  }
0x17b: {  	[tilespmem:s16+$0xFFFFFFE0] =	vst v3;
	v6 =	vld [tilespmem:s1+$0xFFFFFFB0]  }
0x17c: {  	v1 =	vmul.f32 $8.000000000e+00, v1;
	v3 =	vld [tilespmem:s1+$0xFFFFFFF0];
	[tilespmem:s16+$0x20] =	vst v4  }
0x17d: {  	[tilespmem:s0+$0x70] =	vst v5;
	v0 =	vmul.f32 $8.000000000e+00, v0;
	v4 =	vld [tilespmem:s1+$0x30]  }
0x17e: {  	[tilespmem:s0+$0xFFFFFFB0] =	vst v1;
	v1 =	vmul.f32 $8.000000000e+00, v2  }
0x17f: {  	[tilespmem:s0+$0xFFFFFFF0] =	vst v0;
	v0 =	vmul.f32 $8.000000000e+00, v7  }
0x180: {  	[tilespmem:s0+$0x30] =	vst v1;
	v1 =	vmul.f32 $8.000000000e+00, v6  }
0x181: {  	[tilespmem:s16+$0x70] =	vst v0;
	v0 =	vmul.f32 $8.000000000e+00, v3  }
0x182: {  	[tilespmem:s16+$0xFFFFFFB0] =	vst v1;
	v1 =	vmul.f32 $8.000000000e+00, v4  }
0x183: {  	[tilespmem:s16+$0xFFFFFFF0] =	vst v0  }
0x184: {  	[tilespmem:s16+$0x30] =	vst v1  }
0x185: {  	[hbm4b:s9+s3] =	stream.linear.scatter [tilespmem:s23], [sflag:$0x3], $0x4000, $0x38;
	[tilespmem:$0x16400] =	vst v63  }
0x186: {  	_ =	swait.ge [sflag:s24], $0x4000  }
0x187: {  	[sflag:s24] =	ssyncset.done $0x0  }
0x188: {  	[sflag:s24] =	ssyncadd.s32 $0xFFFFC000  }
0x189: {  	_ =	swait.ge [sflag:s30], $0x4000  }
0x18a: {  	[sflag:s30] =	ssyncset.done $0x0  }
0x18b: {  	s22 =	simm.s32 $0xA480;
	[sflag:s30] =	ssyncadd.s32 $0xFFFFC000  }
0x18c: {  	v0 =	vld [tilespmem:s22+$0x40];
	_ =	sdelay $0x3  }
0x18d: {  	v1 =	vld [tilespmem:s22+$0xFFFFFF80]  }
0x18e: {  	v2 =	vld [tilespmem:s22+$0xFFFFFFC0];
	v0 =	vmul.f32 $8.000000000e+00, v0  }
0x18f: {  	s0 =	simm.s32 $0x12480;
	v3 =	vld [tilespmem:s22+$0x0]  }
0x190: {  	[tilespmem:s0+$0x40] =	vst v0  }
0x191: {  	v0 =	vld [tilespmem:s22+$0x50]  }
0x192: {  	v1 =	vmul.f32 $8.000000000e+00, v1  }
0x193: {  	v2 =	vmul.f32 $8.000000000e+00, v2  }
0x194: {  	v3 =	vmul.f32 $8.000000000e+00, v3;
	[tilespmem:s0+$0xFFFFFF80] =	vst v1  }
0x195: {  	[tilespmem:s0+$0xFFFFFFC0] =	vst v2;
	v1 =	vld [tilespmem:s22+$0xFFFFFF90]  }
0x196: {  	[tilespmem:s0+$0x0] =	vst v3;
	v2 =	vld [tilespmem:s22+$0xFFFFFFD0];
	v0 =	vmul.f32 $8.000000000e+00, v0  }
0x197: {  	s1 =	simm.s32 $0xA580;
	v3 =	vld [tilespmem:s22+$0x10]  }
0x198: {  	[tilespmem:s0+$0x50] =	vst v0;
	v0 =	vld [tilespmem:s1+$0x40]  }
0x199: {  	v4 =	vld [tilespmem:s22+$0x60]  }
0x19a: {  	v5 =	vld [tilespmem:s1+$0xFFFFFFC0];
	v1 =	vmul.f32 $8.000000000e+00, v1  }
0x19b: {  	v6 =	vld [tilespmem:s1+$0x0];
	v2 =	vmul.f32 $8.000000000e+00, v2  }
0x19c: {  	v3 =	vmul.f32 $8.000000000e+00, v3;
	[tilespmem:s0+$0xFFFFFF90] =	vst v1;
	v1 =	vld [tilespmem:s1+$0xFFFFFF80]  }
0x19d: {  	[tilespmem:s0+$0xFFFFFFD0] =	vst v2;
	v2 =	vld [tilespmem:s22+$0xFFFFFFA0];
	v0 =	vmul.f32 $8.000000000e+00, v0  }
0x19e: {  	s16 =	simm.s32 $0x12580;
	[tilespmem:s0+$0x10] =	vst v3;
	v7 =	vld [tilespmem:s22+$0xFFFFFFE0];
	v3 =	vmul.f32 $8.000000000e+00, v4  }
0x19f: {  	v4 =	vmul.f32 $8.000000000e+00, v5;
	[tilespmem:s16+$0x40] =	vst v0;
	v0 =	vld [tilespmem:s22+$0x20]  }
0x1a0: {  	v5 =	vmul.f32 $8.000000000e+00, v6;
	v6 =	vld [tilespmem:s1+$0x50];
	[tilespmem:s0+$0x60] =	vst v3  }
0x1a1: {  	v1 =	vmul.f32 $8.000000000e+00, v1;
	[tilespmem:s16+$0xFFFFFFC0] =	vst v4;
	v8 =	vld [tilespmem:s22+$0x70]  }
0x1a2: {  	v2 =	vmul.f32 $8.000000000e+00, v2;
	[tilespmem:s16+$0x0] =	vst v5;
	v9 =	vld [tilespmem:s1+$0xFFFFFFD0]  }
0x1a3: {  	[tilespmem:s16+$0xFFFFFF80] =	vst v1;
	v5 =	vmul.f32 $8.000000000e+00, v7;
	v3 =	vld [tilespmem:s1+$0x10]  }
0x1a4: {  	v4 =	vld [tilespmem:s1+$0xFFFFFF90];
	[tilespmem:s0+$0xFFFFFFA0] =	vst v2;
	v2 =	vmul.f32 $8.000000000e+00, v0  }
0x1a5: {  	v1 =	vld [tilespmem:s22+$0xFFFFFFB0];
	[tilespmem:s0+$0xFFFFFFE0] =	vst v5;
	v7 =	vmul.f32 $8.000000000e+00, v6  }
0x1a6: {  	v0 =	vld [tilespmem:s22+$0xFFFFFFF0];
	[tilespmem:s0+$0x20] =	vst v2;
	v5 =	vmul.f32 $8.000000000e+00, v8  }
0x1a7: {  	s18 =	simm.s32 $0x4;
	s21 =	simm.s32 $0xA680;
	v6 =	vmul.f32 $8.000000000e+00, v9;
	[tilespmem:s16+$0x50] =	vst v7;
	v2 =	vld [tilespmem:s22+$0x30]  }
.LBB2_14:
0x1a8: {  	v7 =	vld [tilespmem:s21+$0x40];
	v3 =	vmul.f32 $8.000000000e+00, v3;
	[tilespmem:s0+$0x70] =	vst v5  }
0x1a9: {  	s18 =	sadd.s32 $0x4, s18;
	v4 =	vmul.f32 $8.000000000e+00, v4;
	[tilespmem:s16+$0xFFFFFFD0] =	vst v6;
	v5 =	vld [tilespmem:s1+$0x60]  }
0x1aa: {  	p0 =	slt.u32 s18, $0xFC;
	v6 =	vld [tilespmem:s21+$0xFFFFFFC0];
	[tilespmem:s16+$0x10] =	vst v3;
	v1 =	vmul.f32 $8.000000000e+00, v1  }
0x1ab: {  	v3 =	vld [tilespmem:s21+$0x0];
	[tilespmem:s16+$0xFFFFFF90] =	vst v4;
	v0 =	vmul.f32 $8.000000000e+00, v0  }
0x1ac: {  	v4 =	vld [tilespmem:s21+$0xFFFFFF80];
	[tilespmem:s0+$0xFFFFFFB0] =	vst v1;
	v1 =	vmul.f32 $8.000000000e+00, v2  }
0x1ad: {  	v2 =	vmul.f32 $8.000000000e+00, v7;
	v7 =	vld [tilespmem:s1+$0xFFFFFFA0];
	[tilespmem:s0+$0xFFFFFFF0] =	vst v0  }
0x1ae: {  	v0 =	vld [tilespmem:s1+$0xFFFFFFE0];
	v5 =	vmul.f32 $8.000000000e+00, v5;
	[tilespmem:s0+$0x30] =	vst v1;
	s0 =	smov.u32 s16;
	s16 =	sadd.s32 $0x100, s16  }
0x1af: {  	v1 =	vmul.f32 $8.000000000e+00, v6;
	[tilespmem:s16+$0x40] =	vst v2;
	v2 =	vld [tilespmem:s1+$0x20]  }
0x1b0: {  	v3 =	vmul.f32 $8.000000000e+00, v3;
	v6 =	vld [tilespmem:s21+$0x50];
	[tilespmem:s0+$0x60] =	vst v5  }
0x1b1: {  	v4 =	vmul.f32 $8.000000000e+00, v4;
	[tilespmem:s16+$0xFFFFFFC0] =	vst v1;
	v5 =	vld [tilespmem:s1+$0x70]  }
0x1b2: {  	v8 =	vld [tilespmem:s21+$0xFFFFFFD0];
	[tilespmem:s16+$0x0] =	vst v3;
	v1 =	vmul.f32 $8.000000000e+00, v7  }
.Ltmp6:
0x1b3: {  	[tilespmem:s16+$0xFFFFFF80] =	vst v4;
	v3 =	vld [tilespmem:s21+$0x10];
	v0 =	vmul.f32 $8.000000000e+00, v0;
	(pc) =	sbr.rel @p0 .LBB2_14-.Ltmp6, $4  }
0x1b4: {  	v4 =	vld [tilespmem:s21+$0xFFFFFF90];
	[tilespmem:s0+$0xFFFFFFA0] =	vst v1;
	v2 =	vmul.f32 $8.000000000e+00, v2  }
0x1b5: {  	v7 =	vmul.f32 $8.000000000e+00, v6;
	v1 =	vld [tilespmem:s1+$0xFFFFFFB0];
	[tilespmem:s0+$0xFFFFFFE0] =	vst v0  }
0x1b6: {  	v0 =	vld [tilespmem:s1+$0xFFFFFFF0];
	[tilespmem:s0+$0x20] =	vst v2;
	v5 =	vmul.f32 $8.000000000e+00, v5  }
0x1b7: {  	v6 =	vmul.f32 $8.000000000e+00, v8;
	[tilespmem:s16+$0x50] =	vst v7;
	v2 =	vld [tilespmem:s1+$0x30];
	s1 =	smov.u32 s21;
	s21 =	sadd.s32 $0x100, s21  }
0x1b8: {  	v3 =	vmul.f32 $8.000000000e+00, v3  }
0x1b9: {  	v7 =	vld [tilespmem:s1+$0x60];
	v4 =	vmul.f32 $8.000000000e+00, v4;
	[tilespmem:s16+$0xFFFFFFD0] =	vst v6  }
0x1ba: {  	[tilespmem:s16+$0x10] =	vst v3;
	v53 =	vld [tilespmem:s1+$0xFFFFFFE0]  }
0x1bb: {  	[tilespmem:s16+$0xFFFFFF90] =	vst v4;
	v54 =	vld [tilespmem:s1+$0x20]  }
0x1bc: {  	v4 =	vld [tilespmem:s1+$0xFFFFFFA0];
	_ =	sdelay $0x1  }
0x1bd: {  	v7 =	vmul.f32 $8.000000000e+00, v7  }
0x1be: {  	v3 =	vmul.f32 $8.000000000e+00, v53  }
0x1bf: {  	[tilespmem:s16+$0x60] =	vst v7;
	v6 =	vmul.f32 $8.000000000e+00, v54  }
0x1c0: {  	v55 =	vld [tilespmem:s1+$0x70];
	v4 =	vmul.f32 $8.000000000e+00, v4;
	[tilespmem:s16+$0xFFFFFFE0] =	vst v3  }
0x1c1: {  	[tilespmem:s16+$0x20] =	vst v6;
	v57 =	vld [tilespmem:s1+$0xFFFFFFF0]  }
0x1c2: {  	v1 =	vmul.f32 $8.000000000e+00, v1;
	[tilespmem:s16+$0xFFFFFFA0] =	vst v4;
	v58 =	vld [tilespmem:s1+$0x30]  }
0x1c3: {  	[tilespmem:s0+$0x70] =	vst v5;
	v0 =	vmul.f32 $8.000000000e+00, v0;
	v56 =	vld [tilespmem:s1+$0xFFFFFFB0]  }
0x1c4: {  	[tilespmem:s0+$0xFFFFFFB0] =	vst v1;
	v59 =	vmul.f32 $8.000000000e+00, v2  }
0x1c5: {  	[tilespmem:s0+$0xFFFFFFF0] =	vst v0;
	v60 =	vmul.f32 $8.000000000e+00, v55  }
0x1c6: {  	[tilespmem:s0+$0x30] =	vst v59;
	v62 =	vmul.f32 $8.000000000e+00, v57  }
0x1c7: {  	[tilespmem:s16+$0x70] =	vst v60;
	v63 =	vmul.f32 $8.000000000e+00, v58  }
0x1c8: {  	v61 =	vmul.f32 $8.000000000e+00, v56;
	[tilespmem:s16+$0xFFFFFFF0] =	vst v62  }
0x1c9: {  	[tilespmem:s16+$0x30] =	vst v63  }
0x1ca: {  	s31 =	sadd.s32 $0x1, s31;
	[tilespmem:s16+$0xFFFFFFB0] =	vst v61  }
0x1cb: {  	[hbm4b:s10+s3] =	stream.linear.scatter [tilespmem:s28], [sflag:$0x4], $0x4000, $0x38;
	[tilespmem:$0x16400] =	vst v63  }
0x1cc: {  	p0 =	sne.s32 s31, s11;
	_ =	swait.ge [sflag:s29], $0x4000  }
.Ltmp7:
0x1cd: {  	[sflag:s29] =	ssyncset.done $0x0;
	(pc) =	sbr.rel @p0 .LBB2_1-.Ltmp7, $4  }
0x1ce: {  	[sflag:s29] =	ssyncadd.s32 $0xFFFFC000  }
0x1cf: {  	_ =	swait.ge [sflag:s30], $0x4000  }
0x1d0: {  	[sflag:s30] =	ssyncset.done $0x0  }
0x1d1: {  	[sflag:s30] =	ssyncadd.s32 $0xFFFFC000  }
0x1d2: {  	_ =	sfence.sel $0x180000  }
0x1d3: {  	[bflag:$0x0] =	sbarrier.arrive $0xFFFF  }
0x1d4: {  	_ =	strace $0x90000047  }
0x1d5: {  	s0 =	stileid.u32;
	[bflag:$0x2] =	sbarrier.arrive $0xFFFF  }
0x1d6: {  	p0 =	sne.s32 s0, $0x0;
	s0 =	rddreg [dreg:$0x2]  }
0x1d7: {  	s0 =	sadd.s32 @!p0 $0x100000, s0  }
0x1d8: {  	[sflag:s0] =	ssyncadd.tile.s32 @!p0 $0x1;
	_ =	shalt  }
.Lfunc_end2:
_tile_overlayer_lowered:
.L_overlay_start_2:
0x1d9: {  	(tag) =	ssettag $0x2  }
0x1da: {  	s0 =	rddreg [dreg:$0x0];
	s2 =	stileid.u32  }
0x1db: {  	s1 =	rddreg [dreg:$0x1];
	p0 =	sne.s32 s2, $0x0  }
0x1dc: {  	s3 =	rddreg [dreg:$0x2];
	[bflag:$0x3] =	sbarrier.arrive $0xFFFF;
	s2 =	simm.s32 @!p0 $0x1C05  }
0x1dd: {  	[timem:s3], [sflag:s2] =	dma.local @!p0 [hbm:s0], s1  }
0x1de: {  	s0 =	simm.s32 @!p0 $0x5  }
0x1df: {  	_ =	swait.ge @!p0 [sflag:s0], s1  }
0x1e0: {  	s1 =	ssub.s32 @!p0 $0x0, s1;
	[sflag:s0] =	ssyncset.done @!p0 $0x0  }
0x1e1: {  	[sflag:s0] =	ssyncadd.s32 @!p0 s1  }
0x1e2: {  	[bflag:$0x3] =	sbarrier.arrive $0xFFFF  }
0x1e3: {  	_ =	shalt  }

// kernel: sparse-core-data-format-call.cloned.1.call-start
scs
called_computation_lowered:
.L_overlay_start_0:
0x0: {  	s2 =	sld [smem:$0x3FD9]  }
0x1: {  	s3 =	sld [smem:$0x3FFE];
	_ =	sdelay $0x1  }
0x2: {  	s1 =	srdreg.scid  }
0x3: {  	s0 =	sand.u32 $0x1, s1  }
0x4: {  	s18 =	sshll.u32 s0, $0xA;
	s2 =	sadd.s32 s3, s2  }
0x5: {  	s2 =	sadd.s32 s2, s18  }
0x6: {  	[smem:$0x3FC6] =	sst s2  }
0x7: {  	_ = 	snop  }
0x8: {  	s2 =	sld [smem:$0x3FD0];
	(tm) =	ssettm $0x1  }
0x9: {  	s19 =	sld [smem:$0x3FFB];
	_ =	sdelay $0x3  }
0xa: {  	_ =	strace s19  }
0xb: {  	s3 =	sld [smem:$0x3FFC];
	_ =	sdelay $0x3  }
0xc: {  	_ =	strace s3  }
0xd: {  	s3 =	sld [smem:$0x3FFD];
	_ =	sdelay $0x3  }
0xe: {  	_ =	strace s3  }
0xf: {  	_ =	strace $0x8FFFFFFF  }
0x10: {  	s20 =	sld [smem:$0x3FDB];
	_ =	sdelay $0x1  }
0x11: {  	s4 =	simm.s32 $_scs_section_size  }
0x12: {  	s5 =	simm.s32 $_size__tile_overlayer_lowered;
	s6 =	simm.s32 $_tile_overlayer_lowered  }
0x13: {  	s23 =	simm.s32 $0x1BFF;
	s22 =	sshll.u32 s6, $0x1;
	s3 =	sadd.s32 s4, s20  }
0x14: {  	s7 =	simm.s32 $0x0;
	s21 =	sshll.u32 s5, $0x1;
	s5 =	sadd.s32 s22, s3  }
0x15: {  	[timem:s7], [sflag:s23] =	dma.local [hbm:s5], s21  }
0x16: {  	_ =	swait.ge [sflag:s23], s21  }
0x17: {  	s4 =	ssub.s32 $0x0, s21;
	[sflag:s23] =	ssyncset.done $0x0  }
0x18: {  	[sflag:s23] =	ssyncadd.s32 s4;
	_ =	sdelay $0x1  }
0x19: {  	s24 =	simm.s32 $0x1B8B  }
0x1a: {  	_ =	swait.ge [sflag:s24], $0x1  }
0x1b: {  	[sflag:s24] =	ssyncset.done $0x0  }
0x1c: {  	s26 =	simm.s32 $0x1B8E;
	s25 =	sld [smem:$0x3FFE];
	[sflag:s24] =	ssyncadd.s32 $0xFFFFFFFF  }
0x1d: {  	s27 =	simm.s32 $execute0_lowered;
	[smem:$0x3FD2] =	sst s26  }
0x1e: {  	s5 =	sshll.u32 s27, $0x1;
	_ =	strace $0x80000049;
	[dreg:$0x1] =	wrdreg $0xFFFFFFFF  }
0x1f: {  	s28 =	simm.s32 $_size_execute0_lowered;
	s3 =	sadd.s32 s3, s5;
	[dreg:$0x0] =	wrdreg $0x0  }
0x20: {  	s5 =	sshll.u32 s28, $0x1;
	[dreg:$0x2] =	wrdreg s3  }
0x21: {  	[dreg:$0x3] =	wrdreg s5  }
0x22: {  	[dreg:$0x4] =	wrdreg $0xC0  }
0x23: {  	_ =	task [dreg:s7], $0x5FFFF  }
0x24: {  	[dreg:$0x1] =	wrdreg $0xFFFFFFFF  }
0x25: {  	[dreg:$0x0] =	wrdreg $0x60  }
0x26: {  	[dreg:$0x2] =	wrdreg s25  }
0x27: {  	[dreg:$0x3] =	wrdreg s2  }
0x28: {  	[dreg:$0x4] =	wrdreg $0x9  }
0x29: {  	_ =	task.clear_ibuf [dreg:s7], $0x5FFFF;
	_ =	strace $0x90000049  }
0x2a: {  	s29 =	simm.s32 $0x9;
	_ =	strace $0x8000004B  }
0x2b: {  	_ =	swait.ge [sflag:s29], $0x1  }
0x2c: {  	[sflag:s29] =	ssyncadd.s32 $0xFFFFFFFF  }
0x2d: {  	_ =	strace $0x9000004B  }
0x2e: {  	_ =	sfence  }
0x2f: {  	s30 =	sld [smem:$0x0];
	_ =	sdelay $0x2  }
0x30: {  	s31 =	sshll.u32 s1, $0xD;
	s1 =	sshrl.u32 s1, $0x2  }
0x31: {  	s3 =	sand.u32 $0x4000, s31;
	s1 =	sadd.s32 s1, s30  }
0x32: {  	s0 =	sor.u32 s3, s0;
	s1 =	sshll.u32 s1, $0x11  }
0x33: {  	s0 =	sor.u32 s1, s0  }
0x34: {  	s0 =	sadd.s32 $0x8F2B, s0  }
0x35: {  	[sflag:s0] =	ssyncadd.remote.s32 $0x1  }
0x36: {  	_ =	sfence.sel $0xFFFF  }
0x37: {  	[dreg:$0x0] =	wrdreg $0xFFFFFFFF;
	(pc) =	sbr.abs _section_cstart, $3  }
0x38: {  	[dreg:$0x1] =	wrdreg $0xFFFFFFFF  }
0x39: {  	_ =	task.clear_ibuf [dreg:s7], $0x2FFFF;
	_ =	strace $0x9FFFFFFF  }
0x3a: {  	(tm) =	ssettm $0x7FFFFFFF  }
0x3b: {  	_ =	shalt  }
tec
execute0_lowered:
.L_overlay_start_1:
0x0: {  	(tag) =	ssettag $0x1  }
0x1: {  	s0 =	srdreg.scid  }
0x2: {  	s1 =	sshll.u32 s0, $0x4  }
0x3: {  	s0 =	stileid.u32;
	s1 =	sand.u32 $0x10, s1  }
0x4: {  	s1 =	sor.u32 s0, s1  }
0x5: {  	s6 =	rddreg [dreg:$0x0];
	s4 =	simm.s32 $0x1;
	s2 =	sshll.u32 s1, $0x7  }
0x6: {  	s7 =	simm.s32 $0x2;
	s12 =	simm.s32 $0x0;
	s1 =	ssub.s32 $0x4000, s2  }
0x7: {  	s8 =	simm.s32 $0x20000;
	s13 =	simm.s32 $0x0;
	s3 =	sand.u32 $0xF80, s1  }
0x8: {  	s9 =	simm.s32 $0x0;
	s5 =	sshrl.u32 s1, $0xC;
	p0 =	sne.s32 s3, $0x0  }
.Ltmp0:
0x9: {  	s1 =	rddreg [dreg:$0x2];
	s4 =	simm.s32 @!p0 $0x0;
	(pc) =	sbr.rel .LBB1_1-.Ltmp0, $4  }
0xa: {  	s11 =	simm.s32 $0x0;
	s3 =	rddreg [dreg:$0x1];
	s5 =	sadd.s32 s4, s5  }
0xb: {  	_ =	strace $0x8000004A;
	s4 =	simm.s32 $0x1;
	s5 =	smul.u32 $0x32, s5  }
0xc: {  	s6 =	sadd.s32 $0xA00, s6;
	s10 =	smov.u32 s2;
	[sflag:s4] =	ssyncpa.u1 $0x0  }
0xd: {  	p0 =	por $0x0, $0x0;
	[sflag:s7] =	ssyncpa.u1 $0x0;
	s7 =	sor.u32 $0x1, s5  }
.LBB1_4:
0xe: {  	s16 =	sshll.u32 s13, $0x3;
	s17 =	sand.u32 $0x78, s13  }
0xf: {  	s30 =	sand.u32 $0x1F800, s13;
	s12 =	sshll.u32 s12, $0x11;
	s16 =	sand.u32 $0x3C00, s16  }
0x10: {  	[tilespmem:s15+$0x810 ss:$0x81] =	vst.msk $0xffff, v2;
	s31 =	sand.u32 $0x7, s13;
	s16 =	sor.u32 s17, s16;
	s17 =	sadd.s32 s3, s30  }
0x11: {  	[tilespmem:s15+$0x1020 ss:$0x81] =	vst.msk $0xffff, v0;
	s13 =	sshll.u32 s31, $0x12;
	s12 =	sadd.s32 s12, s17;
	s16 =	sshrl.u32 s16, $0x3  }
0x12: {  	[tilespmem:s15+$0x0 ss:$0x81] =	vst.msk $0xffff, v1;
	s13 =	sor.u32 $0x400, s13;
	s12 =	sadd.s32 s16, s12  }
0x13: {  	[hbm4b:s12+s13] =	stream.strided.scatter [tilespmem:s14], [sflag:$0x2], $0x2000, s8, s13, $0x20;
	[tilespmem:$0x8080] =	vst v63  }
.LBB1_5:
0x14: {  	s14 =	sadd.s32 $0x1, s9  }
0x15: {  	s12 =	sadd.s32 $0x1000, s10;
	s16 =	smov.u32 s10;
	p2 =	sgt.s32 s14, $0x31  }
0x16: {  	s16 =	smov.u32 @p2 s12  }
0x17: {  	s14 =	simm.s32 @p2 $0x0;
	p2 =	sgt.s32 s16, $0x3FFF  }
0x18: {  	s16 =	smov.u32 @p2 s2;
	p2 =	sne.s32 s11, s7  }
.Ltmp1:
0x19: {  	p1 =	slt.u32 s11, $0x2;
	(pc) =	sbr.rel @!p2 .LBB1_6-.Ltmp1, $4  }
0x1a: {  	s15 =	simm.s32 @!p1 $0x2  }
0x1b: {  	s13 =	smov.u32 s10;
	p0 =	por !p0, !p0;
	_ =	swait.ge @!p1 [sflag:s15], $0x2000  }
0x1c: {  	s12 =	smov.u32 s9;
	[sflag:s15] =	ssyncset.done @!p1 $0x0;
	s9 =	smov.u32 s14  }
0x1d: {  	s11 =	sadd.s32 $0x1, s11;
	[sflag:s15] =	ssyncadd.s32 @!p1 $0xFFFFE000;
	s10 =	smov.u32 s16  }
.LBB1_1:
0x1e: {  	p1 =	sge.u32 s11, s5  }
0x1f: {  	s14 =	sand.u32 @!p1 $0x1FFFFFF, s9  }
0x20: {  	s15 =	smulhi.u32 @!p1 $0x4924925, s14;
	_ =	sdelay $0x1  }
0x21: {  	s15 =	smul.u32 @!p1 $0x38, s15  }
0x22: {  	s16 =	sxor.u32 @!p1 $0xFFFFFFFF, s11;
	s17 =	smul.u32 @!p1 $0x380, s10  }
0x23: {  	s31 =	sadd.s32 $0xFFFFFFFF, s11;
	s16 =	sshll.u32 @!p1 s16, $0xD;
	s14 =	ssub.s32 @!p1 s14, s15  }
0x24: {  	s15 =	sand.u32 @!p1 $0x2000, s16;
	s16 =	sadd.s32 @!p1 s6, s17;
	s14 =	sshll.u32 @!p1 s14, $0x4  }
0x25: {  	s17 =	simm.s32 @!p1 $0x1C00;
	s14 =	sadd.s32 @!p1 s14, s16;
	s16 =	simm.s32 @!p1 $0x40  }
0x26: {  	[tilespmem:s15], [sflag:$0x1] =	stream.strided.gather @!p1 [hbm4b:s14+s16], $0x2000, s17, s16, $0x38;
	[tilespmem:$0x8080] =	vst v63  }
0x27: {  	p1 =	sge.u32 s31, s5  }
.Ltmp2:
0x28: {  	_ = 	snop;
	(pc) =	sbr.rel @p1 .LBB1_5-.Ltmp2, $1  }
0x29: {  	_ =	sdelay $0x3  }
0x2a: {  	s14 =	simm.s32 $0x1  }
0x2b: {  	_ =	swait.ge [sflag:s4], $0x2000;
	s14 =	simm.s32 @!p0 $0x0  }
0x2c: {  	[sflag:s4] =	ssyncset.done $0x0;
	s15 =	sshll.u32 s14, $0xD  }
0x2d: {  	[sflag:s4] =	ssyncadd.s32 $0xFFFFE000;
	s18 =	sor.u32 $0x20, s15  }
0x2e: {  	s14 =	smul.u32 $0x8100, s14;
	v3 =	vld [tilespmem:s18+$0x10]  }
0x2f: {  	s30 =	sand.u32 $0x1, s11;
	v2 =	vld [tilespmem:s18+$0xFFFFFFF0]  }
0x30: {  	s15 =	smul.u32 $0x8100, s30;
	s14 =	sshrl.u32 s14, $0x2;
	v0 =	vld [tilespmem:s18+$0x0]  }
0x31: {  	v1 =	vld [tilespmem:s18+$0xFFFFFFE0];
	s16 =	sor.u32 $0x4000, s14  }
0x32: {  	s31 =	sshrl.u32 s15, $0x2;
	s15 =	sadd.s32 $0x0, s16  }
0x33: {  	s17 =	simm.s32 $0x4;
	s18 =	sadd.s32 $0x40, s18;
	s14 =	sor.u32 $0x4000, s31;
	[tilespmem:s15+$0x1830 ss:$0x81] =	vst.msk $0xffff, v3  }
.LBB1_3:
0x34: {  	v3 =	vld [tilespmem:s18+$0x10];
	p1 =	sne.s32 s17, $0x1FC;
	[tilespmem:s15+$0x810 ss:$0x81] =	vst.msk $0xffff, v2;
	s19 =	smov.u32 s17;
	s17 =	sadd.s32 $0x4, s17  }
.Ltmp3:
0x35: {  	v2 =	vld [tilespmem:s18+$0xFFFFFFF0];
	[tilespmem:s15+$0x1020 ss:$0x81] =	vst.msk $0xffff, v0;
	(pc) =	sbr.rel @p1 .LBB1_3-.Ltmp3, $4  }
0x36: {  	v0 =	vld [tilespmem:s18+$0x0];
	[tilespmem:s15+$0x0 ss:$0x81] =	vst.msk $0xffff, v1  }
0x37: {  	s15 =	sshra.s32 s19, $0x2;
	v1 =	vld [tilespmem:s18+$0xFFFFFFE0]  }
0x38: {  	s15 =	sadd.s32 s15, s16  }
0x39: {  	s18 =	sadd.s32 $0x40, s18;
	[tilespmem:s15+$0x1830 ss:$0x81] =	vst.msk $0xffff, v3  }
.Ltmp4:
0x3a: {  	_ = 	snop;
	(pc) =	sbr.rel .LBB1_4-.Ltmp4, $1  }
0x3b: {  	_ =	sdelay $0x3  }
.LBB1_6:
0x3c: {  	_ =	sfence.sel $0x180000  }
0x3d: {  	s2 =	simm.s32 $0x1;
	[bflag:$0x0] =	sbarrier.arrive $0xFFFF  }
0x3e: {  	s31 =	simm.s32 $0x2;
	[sflag:s2] =	ssyncpa.u1 $0x1  }
0x3f: {  	[sflag:s31] =	ssyncpa.u1 $0x1  }
0x40: {  	p0 =	sne.s32 s0, $0x0;
	_ =	strace $0x9000004A  }
0x41: {  	s0 =	sadd.s32 @!p0 $0x100000, s1;
	[bflag:$0x2] =	sbarrier.arrive $0xFFFF  }
0x42: {  	[sflag:s0] =	ssyncadd.tile.s32 @!p0 $0x1;
	_ =	shalt  }
.Lfunc_end1:
_tile_overlayer_lowered:
.L_overlay_start_2:
0x43: {  	(tag) =	ssettag $0x2  }
0x44: {  	s0 =	rddreg [dreg:$0x0];
	s2 =	stileid.u32  }
0x45: {  	s1 =	rddreg [dreg:$0x1];
	p0 =	sne.s32 s2, $0x0  }
0x46: {  	s3 =	rddreg [dreg:$0x2];
	[bflag:$0x3] =	sbarrier.arrive $0xFFFF;
	s2 =	simm.s32 @!p0 $0x1C01  }
0x47: {  	[timem:s3], [sflag:s2] =	dma.local @!p0 [hbm:s0], s1  }
0x48: {  	s0 =	simm.s32 @!p0 $0x1  }
0x49: {  	_ =	swait.ge @!p0 [sflag:s0], s1  }
0x4a: {  	s1 =	ssub.s32 @!p0 $0x0, s1;
	[sflag:s0] =	ssyncset.done @!p0 $0x0  }
0x4b: {  	[sflag:s0] =	ssyncadd.s32 @!p0 s1  }
0x4c: {  	[bflag:$0x3] =	sbarrier.arrive $0xFFFF  }
0x4d: {  	_ =	shalt  }

</sc_bundles>
